<compile_context>
chip_gen: v7x
topology: tpu7x:2x2x1
jax: 0.10.2.dev20260603
libtpu: 0.0.44.dev20260713+nightly
codegen_flags: <defaults>
</compile_context>

<pallas_src>
import functools

import jax
import jax.numpy as jnp
from jax import lax
from jax.experimental import pallas as pl
from jax.experimental.pallas import tpu as pltpu
from jax.experimental.pallas import tpu_sc as plsc

N = 10000
D = 128
E = 320000

NC, NS, L = 2, 16, 16
NW = NC * NS

CHUNK = 128
NBUF = 3
NRING = 6
EPT = ((E + NW * CHUNK * NRING - 1) // (NW * CHUNK * NRING)) * CHUNK * NRING
EPAD = EPT * NW
NCH = EPT // CHUNK
NPAD = ((N + NS * L - 1) // (NS * L)) * NS * L
RSTRIDE = 624
RWIN = 640
assert RSTRIDE * (NS - 1) + RWIN == N


def _deg_body(col_hbm, zeros_hbm, degp_hbm, idx_v, acc):
    c = lax.axis_index("c")
    s = lax.axis_index("s")
    wid = c * NS + s
    pltpu.sync_copy(zeros_hbm, acc)
    pltpu.sync_copy(col_hbm.at[wid], idx_v)
    ones = jnp.ones((L,), jnp.float32)
    off = jnp.full((L,), NPAD, jnp.int32)

    def chunk(k, carry):
        for j in range(CHUNK // L):
            idx16 = idx_v[k, pl.ds(j * L, L)]
            if j % 2:
                idx16 = idx16 + off
            plsc.addupdate_scatter(acc, [idx16], ones)
        return carry

    lax.fori_loop(0, NCH, chunk, 0)
    pltpu.sync_copy(acc, degp_hbm.at[wid])


LEAD = 2
LOADAHEAD = NRING - NBUF + LEAD


def _agg_body(hs_hbm, edges_hbm, zeros_hbm, part_hbm, acc, *bufs):
    c = lax.axis_index("c")
    s = lax.axis_index("s")
    wid = c * NS + s
    ebufs = bufs[:NRING]
    gbufs = bufs[NRING : NRING + NBUF]
    esems = bufs[NRING + NBUF : 2 * NRING + NBUF]
    gsems = bufs[2 * NRING + NBUF : 2 * NRING + 2 * NBUF]
    ssems = bufs[2 * NRING + 2 * NBUF :]

    def wait_gather(gb):
        pltpu.make_async_copy(hs_hbm.at[pl.ds(0, CHUNK)], gbufs[gb], gsems[gb]).wait()

    def wait_edges(eb):
        pltpu.make_async_copy(edges_hbm.at[wid, 0], ebufs[eb], esems[eb]).wait()

    def wait_scatter(gb):
        pltpu.make_async_copy(gbufs[gb], acc.at[ebufs[0].at[1]], ssems[gb]).wait()

    pltpu.sync_copy(zeros_hbm, acc.at[pl.ds(s * RSTRIDE, RWIN)])
    for k in range(NRING):
        pltpu.async_copy(edges_hbm.at[wid, k], ebufs[k], esems[k])
    plsc.subcore_barrier()
    for k in range(LEAD):
        wait_edges(k)
        pltpu.async_copy(hs_hbm.at[ebufs[k].at[0]], gbufs[k], gsems[k])

    def outer(g, carry):
        for b in range(NRING):
            k = g * NRING + b
            gb = b % NBUF
            wait_gather(gb)
            pltpu.async_copy(gbufs[gb], acc.at[ebufs[b].at[1]], ssems[gb], add=True)

            @pl.when(k + LEAD < NCH)
            def _():
                @pl.when(k >= NBUF - LEAD)
                def _():
                    wait_scatter((b + LEAD) % NBUF)

                wait_edges((b + LEAD) % NRING)
                pltpu.async_copy(
                    hs_hbm.at[ebufs[(b + LEAD) % NRING].at[0]],
                    gbufs[(b + LEAD) % NBUF],
                    gsems[(b + LEAD) % NBUF],
                )

            @pl.when(jnp.logical_and(k >= NBUF - LEAD, k + LOADAHEAD < NCH))
            def _():
                pltpu.async_copy(
                    edges_hbm.at[wid, k + LOADAHEAD],
                    ebufs[(b + LOADAHEAD) % NRING],
                    esems[(b + LOADAHEAD) % NRING],
                )

        return carry

    lax.fori_loop(0, NCH // NRING, outer, 0)
    for j in range(NCH - 1 - LEAD, NCH):
        wait_scatter(j % NBUF)
    plsc.subcore_barrier()
    pltpu.sync_copy(
        acc.at[pl.ds(s * RSTRIDE, RWIN)], part_hbm.at[c, pl.ds(s * RSTRIDE, RWIN)]
    )


@functools.lru_cache(maxsize=None)
def _sc_calls():
    mesh = plsc.VectorSubcoreMesh(
        core_axis_name="c", subcore_axis_name="s", num_cores=NC, num_subcores=NS
    )
    deg_call = pl.kernel(
        _deg_body,
        out_type=jax.ShapeDtypeStruct((NW, 2 * NPAD), jnp.float32),
        mesh=mesh,
        scratch_types=[
            pltpu.VMEM((NCH, CHUNK), jnp.int32),
            pltpu.VMEM((2 * NPAD,), jnp.float32),
        ],
        compiler_params=pltpu.CompilerParams(needs_layout_passes=False),
    )
    agg_call = pl.kernel(
        _agg_body,
        out_type=jax.ShapeDtypeStruct((NC, NPAD, D), jnp.float32),
        mesh=mesh,
        scratch_types=[pltpu.VMEM_SHARED((N, D), jnp.float32)]
        + [pltpu.VMEM((2, CHUNK), jnp.int32)] * NRING
        + [pltpu.VMEM((CHUNK, D), jnp.float32)] * NBUF
        + [pltpu.SemaphoreType.DMA] * (NRING + 2 * NBUF),
    )
    return deg_call, agg_call


BM = 1024


def _dis_col(degp_block):
    ones = jnp.ones((degp_block.shape[0], 1), jnp.float32)
    d = lax.dot_general(
        degp_block, ones, (((0,), (0,)), ((), ())),
        preferred_element_type=jnp.float32,
    )
    return lax.rsqrt(d + 1.0)


def _mm_body(x_ref, w_ref, degp_ref, hs_ref):
    dis = _dis_col(degp_ref[...])
    h = jnp.dot(x_ref[...], w_ref[...], preferred_element_type=jnp.float32)
    hs_ref[...] = h * dis


def _ep_body(part_ref, hs_ref, degp_ref, b_ref, out_ref):
    dis = _dis_col(degp_ref[...])
    agg = part_ref[0] + part_ref[1] + hs_ref[...]
    out_ref[...] = jnp.maximum(agg * dis + b_ref[...], 0.0)


def kernel(x, edge_index, W, b):
    row = edge_index[0].astype(jnp.int32)
    col = edge_index[1].astype(jnp.int32)
    pad = EPAD - E
    arange_pad = jnp.arange(pad, dtype=jnp.int32)
    row_a = jnp.concatenate([row, N + arange_pad % (NPAD - N)])
    col_a = jnp.concatenate([col, arange_pad % N])
    col_d = jnp.concatenate([col, N + arange_pad % (NPAD - N)])
    col_d3 = col_d.reshape(NW, NCH, CHUNK)
    edges3 = jnp.stack(
        [row_a.reshape(NW, NCH, CHUNK), col_a.reshape(NW, NCH, CHUNK)], axis=2
    )
    x_p = jnp.concatenate([x, jnp.zeros((NPAD - N, D), x.dtype)])

    zerosN = jnp.zeros((2 * NPAD,), jnp.float32)
    zerosD = jnp.zeros((RWIN, D), jnp.float32)

    deg_call, agg_call = _sc_calls()
    degp = deg_call(col_d3, zerosN).reshape(2 * NW, NPAD)

    hs = pl.pallas_call(
        _mm_body,
        grid=(NPAD // BM,),
        in_specs=[
            pl.BlockSpec((BM, D), lambda i: (i, 0)),
            pl.BlockSpec((D, D), lambda i: (0, 0)),
            pl.BlockSpec((2 * NW, BM), lambda i: (0, i)),
        ],
        out_specs=pl.BlockSpec((BM, D), lambda i: (i, 0)),
        out_shape=jax.ShapeDtypeStruct((NPAD, D), jnp.float32),
    )(x_p, W, degp)

    part = agg_call(hs, edges3, zerosD)

    out = pl.pallas_call(
        _ep_body,
        grid=(NPAD // BM,),
        in_specs=[
            pl.BlockSpec((NC, BM, D), lambda i: (0, i, 0)),
            pl.BlockSpec((BM, D), lambda i: (i, 0)),
            pl.BlockSpec((2 * NW, BM), lambda i: (0, i)),
            pl.BlockSpec((1, D), lambda i: (0, 0)),
        ],
        out_specs=pl.BlockSpec((BM, D), lambda i: (i, 0)),
        out_shape=jax.ShapeDtypeStruct((NPAD, D), jnp.float32),
    )(part, hs, degp, b.reshape(1, D))

    return out[:N]

# --- scband reference (transcript-rebuilt; emitter-appended) ---
"""Pipeline reference for scband-gene-net-39960375722254 (READ-ONLY COPY).

The authoritative reference and input builder live on the scoring server;
editing this copy changes nothing except your own understanding.
"""

import jax, jax.numpy as jnp
import numpy as np

N_NODES = 10000
N_EDGES = 320000
IN_DIM = 128
OUT_DIM = 128


def setup_inputs(seed: int = 0) -> dict:
    key = jax.random.key(seed)
    k1, k2, k3, k4 = jax.random.split(key, 4)
    x = jax.random.normal(k1, (N_NODES, IN_DIM), dtype=jnp.float32)
    edge_index = jax.random.randint(k2, (2, N_EDGES), 0, N_NODES, dtype=jnp.int64)
    # GCNConv linear weight (PyG uses glorot init; here random normal scaled)
    W = jax.random.normal(k3, (IN_DIM, OUT_DIM), dtype=jnp.float32) * (1.0 / np.sqrt(IN_DIM))
    b = jnp.zeros((OUT_DIM,), dtype=jnp.float32)
    return {"x": x, "edge_index": edge_index, "W": W, "b": b}


def reference(x, edge_index, W, b):
    # Faithful GCNConv (PyG semantics): add self-loops, symmetric normalization,
    # linear transform, scatter-add aggregation at destination, bias, then ReLU.
    N = x.shape[0]
    loops = jnp.arange(N, dtype=edge_index.dtype)
    row = jnp.concatenate([edge_index[0], loops])  # source nodes
    col = jnp.concatenate([edge_index[1], loops])  # destination nodes
    h = x @ W  # [N, OUT_DIM]
    ones = jnp.ones(row.shape[0], dtype=h.dtype)
    deg = jnp.zeros((N,), dtype=h.dtype).at[col].add(ones)
    deg_inv_sqrt = jnp.where(deg > 0, deg ** -0.5, 0.0)
    norm = deg_inv_sqrt[row] * deg_inv_sqrt[col]  # [E+N]
    msgs = h[row] * norm[:, None]  # gather + scale
    out = jnp.zeros((N, h.shape[1]), dtype=h.dtype).at[col].add(msgs)  # scatter-add
    out = out + b
    out = jax.nn.relu(out)
    return out

if __name__ == "__main__":
    import jax
    _d = setup_inputs()
    print(jax.jit(kernel)(*tuple(_d.values())))

</pallas_src>

<mosaic_0001>
#map = affine_map<(d0, d1) -> (0, 0)>
#map1 = affine_map<(d0, d1) -> (0, 0, 0, 0)>
#map2 = affine_map<(d0, d1) -> (0, 0, 0)>
module attributes {stable_mosaic.version = 14 : i64} {
  func.func @_agg_body(%arg0: i32, %arg1: i32, %arg2: memref<10240x128xf32, #tpu.memory_space<hbm>>, %arg3: memref<32x84x2x128xi32, #tpu.memory_space<hbm>>, %arg4: memref<640x128xf32, #tpu.memory_space<hbm>>, %arg5: memref<2x10240x128xf32, #tpu.memory_space<hbm>>, %arg6: memref<10000x128xf32, #tpu.memory_space<vmem_shared>>, %arg7: memref<2x128xi32, #tpu.memory_space<vmem>>, %arg8: memref<2x128xi32, #tpu.memory_space<vmem>>, %arg9: memref<2x128xi32, #tpu.memory_space<vmem>>, %arg10: memref<2x128xi32, #tpu.memory_space<vmem>>, %arg11: memref<2x128xi32, #tpu.memory_space<vmem>>, %arg12: memref<2x128xi32, #tpu.memory_space<vmem>>, %arg13: memref<128x128xf32, #tpu.memory_space<vmem>>, %arg14: memref<128x128xf32, #tpu.memory_space<vmem>>, %arg15: memref<128x128xf32, #tpu.memory_space<vmem>>, %arg16: memref<!tpu.dma_semaphore, #tpu.memory_space<semaphore_mem>>, %arg17: memref<!tpu.dma_semaphore, #tpu.memory_space<semaphore_mem>>, %arg18: memref<!tpu.dma_semaphore, #tpu.memory_space<semaphore_mem>>, %arg19: memref<!tpu.dma_semaphore, #tpu.memory_space<semaphore_mem>>, %arg20: memref<!tpu.dma_semaphore, #tpu.memory_space<semaphore_mem>>, %arg21: memref<!tpu.dma_semaphore, #tpu.memory_space<semaphore_mem>>, %arg22: memref<!tpu.dma_semaphore, #tpu.memory_space<semaphore_mem>>, %arg23: memref<!tpu.dma_semaphore, #tpu.memory_space<semaphore_mem>>, %arg24: memref<!tpu.dma_semaphore, #tpu.memory_space<semaphore_mem>>, %arg25: memref<!tpu.dma_semaphore, #tpu.memory_space<semaphore_mem>>, %arg26: memref<!tpu.dma_semaphore, #tpu.memory_space<semaphore_mem>>, %arg27: memref<!tpu.dma_semaphore, #tpu.memory_space<semaphore_mem>>) attributes {dimension_semantics = [#tpu.dimension_semantics<core_parallel>, #tpu.dimension_semantics<subcore_parallel>], iteration_bounds = array<i64: 2, 16>, scalar_prefetch = 0 : i64, scratch_operands = 22 : i64, tpu.core_type = #tpu.core_type<sc_vector_subcore>, window_params = [{transform_indices = #map}, {transform_indices = #map1}, {transform_indices = #map}, {transform_indices = #map2}]} {
    %mul3A = arith.constant 16 : i32
    %mul3A_0 = arith.muli %arg0, %mul3A : i32
    %add3A = arith.addi %mul3A_0, %arg1 : i32
    %mul3A_1 = arith.constant 624 : i32
    %mul3A_2 = arith.muli %arg1, %mul3A_1 : i32
    "tpu.region"() ({
      %run_scoped3A = tpu.sem_alloc : memref<!tpu.dma_semaphore, #tpu.memory_space<semaphore_mem>>
      %dma_start3A_118 = arith.constant 0 : i32
      %dma_start3A_119 = tpu.memref_slice %arg6[%mul3A_2, %dma_start3A_118] : memref<10000x128xf32, #tpu.memory_space<vmem_shared>> -> memref<640x128xf32, #tpu.memory_space<vmem_shared>>
      tpu.enqueue_dma source(%arg4 : memref<640x128xf32, #tpu.memory_space<hbm>>) target(%dma_start3A_119 : memref<640x128xf32, #tpu.memory_space<vmem_shared>>) target_semaphore(%run_scoped3A : memref<!tpu.dma_semaphore, #tpu.memory_space<semaphore_mem>>)
      %dma_wait3A_120 = arith.constant 0 : i32
      %dma_wait3A_121 = tpu.memref_slice %arg6[%mul3A_2, %dma_wait3A_120] : memref<10000x128xf32, #tpu.memory_space<vmem_shared>> -> memref<640x128xf32, #tpu.memory_space<vmem_shared>>
      tpu.wait_dma2 semaphore(%run_scoped3A : memref<!tpu.dma_semaphore, #tpu.memory_space<semaphore_mem>>) src(%arg4 : memref<640x128xf32, #tpu.memory_space<hbm>>) dst(%dma_wait3A_121 : memref<640x128xf32, #tpu.memory_space<vmem_shared>>)
      tpu.yield
    }) : () -> ()
    %dma_start3A = arith.constant 0 : i32
    %dma_start3A_3 = arith.constant 0 : i32
    %dma_start3A_4 = arith.constant 0 : i32
    %dma_start3A_5 = tpu.memref_slice %arg3[%add3A, %dma_start3A, %dma_start3A_3, %dma_start3A_4] : memref<32x84x2x128xi32, #tpu.memory_space<hbm>> -> memref<1x1x2x128xi32, #tpu.memory_space<hbm>>
    %dma_start3A_6 = tpu.memref_squeeze %dma_start3A_5 : memref<1x1x2x128xi32, #tpu.memory_space<hbm>> -> memref<2x128xi32, #tpu.memory_space<hbm>>
    %dma_start3A_7 = arith.constant 0 : i32
    %dma_start3A_8 = arith.constant 0 : i32
    %dma_start3A_9 = tpu.memref_slice %arg3[%add3A, %dma_start3A, %dma_start3A_7, %dma_start3A_8] : memref<32x84x2x128xi32, #tpu.memory_space<hbm>> -> memref<1x1x2x128xi32, #tpu.memory_space<hbm>>
    %dma_start3A_10 = tpu.memref_squeeze %dma_start3A_9 : memref<1x1x2x128xi32, #tpu.memory_space<hbm>> -> memref<2x128xi32, #tpu.memory_space<hbm>>
    tpu.enqueue_dma source(%dma_start3A_10 : memref<2x128xi32, #tpu.memory_space<hbm>>) target(%arg7 : memref<2x128xi32, #tpu.memory_space<vmem>>) target_semaphore(%arg16 : memref<!tpu.dma_semaphore, #tpu.memory_space<semaphore_mem>>)
    %dma_start3A_11 = arith.constant 1 : i32
    %dma_start3A_12 = arith.constant 0 : i32
    %dma_start3A_13 = arith.constant 0 : i32
    %dma_start3A_14 = tpu.memref_slice %arg3[%add3A, %dma_start3A_11, %dma_start3A_12, %dma_start3A_13] : memref<32x84x2x128xi32, #tpu.memory_space<hbm>> -> memref<1x1x2x128xi32, #tpu.memory_space<hbm>>
    %dma_start3A_15 = tpu.memref_squeeze %dma_start3A_14 : memref<1x1x2x128xi32, #tpu.memory_space<hbm>> -> memref<2x128xi32, #tpu.memory_space<hbm>>
    %dma_start3A_16 = arith.constant 0 : i32
    %dma_start3A_17 = arith.constant 0 : i32
    %dma_start3A_18 = tpu.memref_slice %arg3[%add3A, %dma_start3A_11, %dma_start3A_16, %dma_start3A_17] : memref<32x84x2x128xi32, #tpu.memory_space<hbm>> -> memref<1x1x2x128xi32, #tpu.memory_space<hbm>>
    %dma_start3A_19 = tpu.memref_squeeze %dma_start3A_18 : memref<1x1x2x128xi32, #tpu.memory_space<hbm>> -> memref<2x128xi32, #tpu.memory_space<hbm>>
    tpu.enqueue_dma source(%dma_start3A_19 : memref<2x128xi32, #tpu.memory_space<hbm>>) target(%arg8 : memref<2x128xi32, #tpu.memory_space<vmem>>) target_semaphore(%arg17 : memref<!tpu.dma_semaphore, #tpu.memory_space<semaphore_mem>>)
    %dma_start3A_20 = arith.constant 2 : i32
    %dma_start3A_21 = arith.constant 0 : i32
    %dma_start3A_22 = arith.constant 0 : i32
    %dma_start3A_23 = tpu.memref_slice %arg3[%add3A, %dma_start3A_20, %dma_start3A_21, %dma_start3A_22] : memref<32x84x2x128xi32, #tpu.memory_space<hbm>> -> memref<1x1x2x128xi32, #tpu.memory_space<hbm>>
    %dma_start3A_24 = tpu.memref_squeeze %dma_start3A_23 : memref<1x1x2x128xi32, #tpu.memory_space<hbm>> -> memref<2x128xi32, #tpu.memory_space<hbm>>
    %dma_start3A_25 = arith.constant 0 : i32
    %dma_start3A_26 = arith.constant 0 : i32
    %dma_start3A_27 = tpu.memref_slice %arg3[%add3A, %dma_start3A_20, %dma_start3A_25, %dma_start3A_26] : memref<32x84x2x128xi32, #tpu.memory_space<hbm>> -> memref<1x1x2x128xi32, #tpu.memory_space<hbm>>
    %dma_start3A_28 = tpu.memref_squeeze %dma_start3A_27 : memref<1x1x2x128xi32, #tpu.memory_space<hbm>> -> memref<2x128xi32, #tpu.memory_space<hbm>>
    tpu.enqueue_dma source(%dma_start3A_28 : memref<2x128xi32, #tpu.memory_space<hbm>>) target(%arg9 : memref<2x128xi32, #tpu.memory_space<vmem>>) target_semaphore(%arg18 : memref<!tpu.dma_semaphore, #tpu.memory_space<semaphore_mem>>)
    %dma_start3A_29 = arith.constant 3 : i32
    %dma_start3A_30 = arith.constant 0 : i32
    %dma_start3A_31 = arith.constant 0 : i32
    %dma_start3A_32 = tpu.memref_slice %arg3[%add3A, %dma_start3A_29, %dma_start3A_30, %dma_start3A_31] : memref<32x84x2x128xi32, #tpu.memory_space<hbm>> -> memref<1x1x2x128xi32, #tpu.memory_space<hbm>>
    %dma_start3A_33 = tpu.memref_squeeze %dma_start3A_32 : memref<1x1x2x128xi32, #tpu.memory_space<hbm>> -> memref<2x128xi32, #tpu.memory_space<hbm>>
    %dma_start3A_34 = arith.constant 0 : i32
    %dma_start3A_35 = arith.constant 0 : i32
    %dma_start3A_36 = tpu.memref_slice %arg3[%add3A, %dma_start3A_29, %dma_start3A_34, %dma_start3A_35] : memref<32x84x2x128xi32, #tpu.memory_space<hbm>> -> memref<1x1x2x128xi32, #tpu.memory_space<hbm>>
    %dma_start3A_37 = tpu.memref_squeeze %dma_start3A_36 : memref<1x1x2x128xi32, #tpu.memory_space<hbm>> -> memref<2x128xi32, #tpu.memory_space<hbm>>
    tpu.enqueue_dma source(%dma_start3A_37 : memref<2x128xi32, #tpu.memory_space<hbm>>) target(%arg10 : memref<2x128xi32, #tpu.memory_space<vmem>>) target_semaphore(%arg19 : memref<!tpu.dma_semaphore, #tpu.memory_space<semaphore_mem>>)
    %dma_start3A_38 = arith.constant 4 : i32
    %dma_start3A_39 = arith.constant 0 : i32
    %dma_start3A_40 = arith.constant 0 : i32
    %dma_start3A_41 = tpu.memref_slice %arg3[%add3A, %dma_start3A_38, %dma_start3A_39, %dma_start3A_40] : memref<32x84x2x128xi32, #tpu.memory_space<hbm>> -> memref<1x1x2x128xi32, #tpu.memory_space<hbm>>
    %dma_start3A_42 = tpu.memref_squeeze %dma_start3A_41 : memref<1x1x2x128xi32, #tpu.memory_space<hbm>> -> memref<2x128xi32, #tpu.memory_space<hbm>>
    %dma_start3A_43 = arith.constant 0 : i32
    %dma_start3A_44 = arith.constant 0 : i32
    %dma_start3A_45 = tpu.memref_slice %arg3[%add3A, %dma_start3A_38, %dma_start3A_43, %dma_start3A_44] : memref<32x84x2x128xi32, #tpu.memory_space<hbm>> -> memref<1x1x2x128xi32, #tpu.memory_space<hbm>>
    %dma_start3A_46 = tpu.memref_squeeze %dma_start3A_45 : memref<1x1x2x128xi32, #tpu.memory_space<hbm>> -> memref<2x128xi32, #tpu.memory_space<hbm>>
    tpu.enqueue_dma source(%dma_start3A_46 : memref<2x128xi32, #tpu.memory_space<hbm>>) target(%arg11 : memref<2x128xi32, #tpu.memory_space<vmem>>) target_semaphore(%arg20 : memref<!tpu.dma_semaphore, #tpu.memory_space<semaphore_mem>>)
    %dma_start3A_47 = arith.constant 5 : i32
    %dma_start3A_48 = arith.constant 0 : i32
    %dma_start3A_49 = arith.constant 0 : i32
    %dma_start3A_50 = tpu.memref_slice %arg3[%add3A, %dma_start3A_47, %dma_start3A_48, %dma_start3A_49] : memref<32x84x2x128xi32, #tpu.memory_space<hbm>> -> memref<1x1x2x128xi32, #tpu.memory_space<hbm>>
    %dma_start3A_51 = tpu.memref_squeeze %dma_start3A_50 : memref<1x1x2x128xi32, #tpu.memory_space<hbm>> -> memref<2x128xi32, #tpu.memory_space<hbm>>
    %dma_start3A_52 = arith.constant 0 : i32
    %dma_start3A_53 = arith.constant 0 : i32
    %dma_start3A_54 = tpu.memref_slice %arg3[%add3A, %dma_start3A_47, %dma_start3A_52, %dma_start3A_53] : memref<32x84x2x128xi32, #tpu.memory_space<hbm>> -> memref<1x1x2x128xi32, #tpu.memory_space<hbm>>
    %dma_start3A_55 = tpu.memref_squeeze %dma_start3A_54 : memref<1x1x2x128xi32, #tpu.memory_space<hbm>> -> memref<2x128xi32, #tpu.memory_space<hbm>>
    tpu.enqueue_dma source(%dma_start3A_55 : memref<2x128xi32, #tpu.memory_space<hbm>>) target(%arg12 : memref<2x128xi32, #tpu.memory_space<vmem>>) target_semaphore(%arg21 : memref<!tpu.dma_semaphore, #tpu.memory_space<semaphore_mem>>)
    %barrier3A = arith.constant 0 : index
    tpu.barrier barrier_id(%barrier3A)
    %dma_wait3A = arith.constant 0 : i32
    %dma_wait3A_56 = arith.constant 0 : i32
    %dma_wait3A_57 = arith.constant 0 : i32
    %dma_wait3A_58 = tpu.memref_slice %arg3[%add3A, %dma_wait3A, %dma_wait3A_56, %dma_wait3A_57] : memref<32x84x2x128xi32, #tpu.memory_space<hbm>> -> memref<1x1x2x128xi32, #tpu.memory_space<hbm>>
    %dma_wait3A_59 = tpu.memref_squeeze %dma_wait3A_58 : memref<1x1x2x128xi32, #tpu.memory_space<hbm>> -> memref<2x128xi32, #tpu.memory_space<hbm>>
    %dma_wait3A_60 = arith.constant 0 : i32
    %dma_wait3A_61 = arith.constant 0 : i32
    %dma_wait3A_62 = tpu.memref_slice %arg3[%add3A, %dma_wait3A, %dma_wait3A_60, %dma_wait3A_61] : memref<32x84x2x128xi32, #tpu.memory_space<hbm>> -> memref<1x1x2x128xi32, #tpu.memory_space<hbm>>
    %dma_wait3A_63 = tpu.memref_squeeze %dma_wait3A_62 : memref<1x1x2x128xi32, #tpu.memory_space<hbm>> -> memref<2x128xi32, #tpu.memory_space<hbm>>
    tpu.wait_dma2 semaphore(%arg16 : memref<!tpu.dma_semaphore, #tpu.memory_space<semaphore_mem>>) src(%dma_wait3A_63 : memref<2x128xi32, #tpu.memory_space<hbm>>) dst(%arg7 : memref<2x128xi32, #tpu.memory_space<vmem>>)
    %dma_start3A_64 = arith.constant 0 : i32
    %dma_start3A_65 = arith.constant 0 : i32
    %dma_start3A_66 = tpu.memref_slice %arg7[%dma_start3A_64, %dma_start3A_65] : memref<2x128xi32, #tpu.memory_space<vmem>> -> memref<1x128xi32, #tpu.memory_space<vmem>>
    %dma_start3A_67 = tpu.memref_squeeze %dma_start3A_66 : memref<1x128xi32, #tpu.memory_space<vmem>> -> memref<128xi32, #tpu.memory_space<vmem>>
    %dma_start3A_68 = arith.constant 0 : i32
    %dma_start3A_69 = arith.constant 0 : i32
    %dma_start3A_70 = tpu.memref_slice %arg2[%dma_start3A_68, %dma_start3A_69] : memref<10240x128xf32, #tpu.memory_space<hbm>> -> memref<10240x128xf32, #tpu.memory_space<hbm>>
    tpu.enqueue_indirect_dma source(%dma_start3A_70 : memref<10240x128xf32, #tpu.memory_space<hbm>>) target(%arg13 : memref<128x128xf32, #tpu.memory_space<vmem>>) offsets(%dma_start3A_67 : memref<128xi32, #tpu.memory_space<vmem>>) semaphore(%arg22 : memref<!tpu.dma_semaphore, #tpu.memory_space<semaphore_mem>>)
    %dma_wait3A_71 = arith.constant 0 : i32
    %dma_wait3A_72 = arith.constant 0 : i32
    %dma_wait3A_73 = arith.constant 0 : i32
    %dma_wait3A_74 = tpu.memref_slice %arg3[%add3A, %dma_wait3A_71, %dma_wait3A_72, %dma_wait3A_73] : memref<32x84x2x128xi32, #tpu.memory_space<hbm>> -> memref<1x1x2x128xi32, #tpu.memory_space<hbm>>
    %dma_wait3A_75 = tpu.memref_squeeze %dma_wait3A_74 : memref<1x1x2x128xi32, #tpu.memory_space<hbm>> -> memref<2x128xi32, #tpu.memory_space<hbm>>
    %dma_wait3A_76 = arith.constant 0 : i32
    %dma_wait3A_77 = arith.constant 0 : i32
    %dma_wait3A_78 = tpu.memref_slice %arg3[%add3A, %dma_wait3A_71, %dma_wait3A_76, %dma_wait3A_77] : memref<32x84x2x128xi32, #tpu.memory_space<hbm>> -> memref<1x1x2x128xi32, #tpu.memory_space<hbm>>
    %dma_wait3A_79 = tpu.memref_squeeze %dma_wait3A_78 : memref<1x1x2x128xi32, #tpu.memory_space<hbm>> -> memref<2x128xi32, #tpu.memory_space<hbm>>
    tpu.wait_dma2 semaphore(%arg17 : memref<!tpu.dma_semaphore, #tpu.memory_space<semaphore_mem>>) src(%dma_wait3A_79 : memref<2x128xi32, #tpu.memory_space<hbm>>) dst(%arg8 : memref<2x128xi32, #tpu.memory_space<vmem>>)
    %dma_start3A_80 = arith.constant 0 : i32
    %dma_start3A_81 = arith.constant 0 : i32
    %dma_start3A_82 = tpu.memref_slice %arg8[%dma_start3A_80, %dma_start3A_81] : memref<2x128xi32, #tpu.memory_space<vmem>> -> memref<1x128xi32, #tpu.memory_space<vmem>>
    %dma_start3A_83 = tpu.memref_squeeze %dma_start3A_82 : memref<1x128xi32, #tpu.memory_space<vmem>> -> memref<128xi32, #tpu.memory_space<vmem>>
    %dma_start3A_84 = arith.constant 0 : i32
    %dma_start3A_85 = arith.constant 0 : i32
    %dma_start3A_86 = tpu.memref_slice %arg2[%dma_start3A_84, %dma_start3A_85] : memref<10240x128xf32, #tpu.memory_space<hbm>> -> memref<10240x128xf32, #tpu.memory_space<hbm>>
    tpu.enqueue_indirect_dma source(%dma_start3A_86 : memref<10240x128xf32, #tpu.memory_space<hbm>>) target(%arg14 : memref<128x128xf32, #tpu.memory_space<vmem>>) offsets(%dma_start3A_83 : memref<128xi32, #tpu.memory_space<vmem>>) semaphore(%arg23 : memref<!tpu.dma_semaphore, #tpu.memory_space<semaphore_mem>>)
    %scan3A = arith.constant 0 : i32
    %scan3A_87 = arith.constant 0 : i32
    %scan3A_88 = arith.constant 14 : i32
    %scan3A_89 = arith.addi %scan3A_87, %scan3A_88 : i32
    %scan3A_90 = arith.constant 1 : i32
    scf.for %scan3A_118 = %scan3A_87 to %scan3A_89 step %scan3A_90  : i32 {
      %mul3A_119 = arith.constant 6 : i32
      %mul3A_120 = arith.muli %scan3A_118, %mul3A_119 : i32
      %add3A_121 = arith.constant 0 : i32
      %add3A_122 = arith.addi %mul3A_120, %add3A_121 : i32
      %dma_wait3A_123 = arith.constant 0 : i32
      %dma_wait3A_124 = arith.constant 0 : i32
      %dma_wait3A_125 = tpu.memref_slice %arg2[%dma_wait3A_123, %dma_wait3A_124] : memref<10240x128xf32, #tpu.memory_space<hbm>> -> memref<128x128xf32, #tpu.memory_space<hbm>>
      %dma_wait3A_126 = arith.constant 0 : i32
      %dma_wait3A_127 = arith.constant 0 : i32
      %dma_wait3A_128 = tpu.memref_slice %arg2[%dma_wait3A_126, %dma_wait3A_127] : memref<10240x128xf32, #tpu.memory_space<hbm>> -> memref<128x128xf32, #tpu.memory_space<hbm>>
      tpu.wait_dma2 semaphore(%arg22 : memref<!tpu.dma_semaphore, #tpu.memory_space<semaphore_mem>>) src(%dma_wait3A_128 : memref<128x128xf32, #tpu.memory_space<hbm>>) dst(%arg13 : memref<128x128xf32, #tpu.memory_space<vmem>>)
      %dma_start3A_129 = arith.constant 1 : i32
      %dma_start3A_130 = arith.constant 0 : i32
      %dma_start3A_131 = tpu.memref_slice %arg7[%dma_start3A_129, %dma_start3A_130] : memref<2x128xi32, #tpu.memory_space<vmem>> -> memref<1x128xi32, #tpu.memory_space<vmem>>
      %dma_start3A_132 = tpu.memref_squeeze %dma_start3A_131 : memref<1x128xi32, #tpu.memory_space<vmem>> -> memref<128xi32, #tpu.memory_space<vmem>>
      %dma_start3A_133 = arith.constant 0 : i32
      %dma_start3A_134 = arith.constant 0 : i32
      %dma_start3A_135 = tpu.memref_slice %arg6[%dma_start3A_133, %dma_start3A_134] : memref<10000x128xf32, #tpu.memory_space<vmem_shared>> -> memref<10000x128xf32, #tpu.memory_space<vmem_shared>>
      tpu.enqueue_indirect_dma source(%arg13 : memref<128x128xf32, #tpu.memory_space<vmem>>) target(%dma_start3A_135 : memref<10000x128xf32, #tpu.memory_space<vmem_shared>>) offsets(%dma_start3A_132 : memref<128xi32, #tpu.memory_space<vmem>>) semaphore(%arg25 : memref<!tpu.dma_semaphore, #tpu.memory_space<semaphore_mem>>) {add = true}
      %add3A_136 = arith.constant 2 : i32
      %add3A_137 = arith.addi %add3A_122, %add3A_136 : i32
      %lt3A = arith.constant 84 : i32
      %lt3A_138 = arith.cmpi slt, %add3A_137, %lt3A : i32
      %convert_element_type3A = arith.extui %lt3A_138 : i1 to i32
      %cond3A = arith.constant 0 : i32
      %cond3A_139 = arith.cmpi ne, %convert_element_type3A, %cond3A : i32
      scf.if %cond3A_139 {
        %ge3A_318 = arith.constant 1 : i32
        %ge3A_319 = arith.cmpi sge, %add3A_122, %ge3A_318 : i32
        %convert_element_type3A_320 = arith.extui %ge3A_319 : i1 to i32
        %cond3A_321 = arith.constant 0 : i32
        %cond3A_322 = arith.cmpi ne, %convert_element_type3A_320, %cond3A_321 : i32
        scf.if %cond3A_322 {
          %dma_wait3A_339 = arith.constant 1 : i32
          %dma_wait3A_340 = arith.constant 0 : i32
          %dma_wait3A_341 = tpu.memref_slice %arg7[%dma_wait3A_339, %dma_wait3A_340] : memref<2x128xi32, #tpu.memory_space<vmem>> -> memref<1x128xi32, #tpu.memory_space<vmem>>
          %dma_wait3A_342 = tpu.memref_squeeze %dma_wait3A_341 : memref<1x128xi32, #tpu.memory_space<vmem>> -> memref<128xi32, #tpu.memory_space<vmem>>
          %dma_wait3A_343 = arith.constant 0 : i32
          %dma_wait3A_344 = arith.constant 0 : i32
          %dma_wait3A_345 = tpu.memref_slice %arg6[%dma_wait3A_343, %dma_wait3A_344] : memref<10000x128xf32, #tpu.memory_space<vmem_shared>> -> memref<10000x128xf32, #tpu.memory_space<vmem_shared>>
          tpu.wait_indirect_dma semaphore(%arg27 : memref<!tpu.dma_semaphore, #tpu.memory_space<semaphore_mem>>) src(%arg15 : memref<128x128xf32, #tpu.memory_space<vmem>>) dst(%dma_wait3A_345 : memref<10000x128xf32, #tpu.memory_space<vmem_shared>>)
        } else {
        }
        %dma_wait3A_323 = arith.constant 0 : i32
        %dma_wait3A_324 = arith.constant 0 : i32
        %dma_wait3A_325 = arith.constant 0 : i32
        %dma_wait3A_326 = tpu.memref_slice %arg3[%add3A, %dma_wait3A_323, %dma_wait3A_324, %dma_wait3A_325] : memref<32x84x2x128xi32, #tpu.memory_space<hbm>> -> memref<1x1x2x128xi32, #tpu.memory_space<hbm>>
        %dma_wait3A_327 = tpu.memref_squeeze %dma_wait3A_326 : memref<1x1x2x128xi32, #tpu.memory_space<hbm>> -> memref<2x128xi32, #tpu.memory_space<hbm>>
        %dma_wait3A_328 = arith.constant 0 : i32
        %dma_wait3A_329 = arith.constant 0 : i32
        %dma_wait3A_330 = tpu.memref_slice %arg3[%add3A, %dma_wait3A_323, %dma_wait3A_328, %dma_wait3A_329] : memref<32x84x2x128xi32, #tpu.memory_space<hbm>> -> memref<1x1x2x128xi32, #tpu.memory_space<hbm>>
        %dma_wait3A_331 = tpu.memref_squeeze %dma_wait3A_330 : memref<1x1x2x128xi32, #tpu.memory_space<hbm>> -> memref<2x128xi32, #tpu.memory_space<hbm>>
        tpu.wait_dma2 semaphore(%arg18 : memref<!tpu.dma_semaphore, #tpu.memory_space<semaphore_mem>>) src(%dma_wait3A_331 : memref<2x128xi32, #tpu.memory_space<hbm>>) dst(%arg9 : memref<2x128xi32, #tpu.memory_space<vmem>>)
        %dma_start3A_332 = arith.constant 0 : i32
        %dma_start3A_333 = arith.constant 0 : i32
        %dma_start3A_334 = tpu.memref_slice %arg9[%dma_start3A_332, %dma_start3A_333] : memref<2x128xi32, #tpu.memory_space<vmem>> -> memref<1x128xi32, #tpu.memory_space<vmem>>
        %dma_start3A_335 = tpu.memref_squeeze %dma_start3A_334 : memref<1x128xi32, #tpu.memory_space<vmem>> -> memref<128xi32, #tpu.memory_space<vmem>>
        %dma_start3A_336 = arith.constant 0 : i32
        %dma_start3A_337 = arith.constant 0 : i32
        %dma_start3A_338 = tpu.memref_slice %arg2[%dma_start3A_336, %dma_start3A_337] : memref<10240x128xf32, #tpu.memory_space<hbm>> -> memref<10240x128xf32, #tpu.memory_space<hbm>>
        tpu.enqueue_indirect_dma source(%dma_start3A_338 : memref<10240x128xf32, #tpu.memory_space<hbm>>) target(%arg15 : memref<128x128xf32, #tpu.memory_space<vmem>>) offsets(%dma_start3A_335 : memref<128xi32, #tpu.memory_space<vmem>>) semaphore(%arg24 : memref<!tpu.dma_semaphore, #tpu.memory_space<semaphore_mem>>)
      } else {
      }
      %ge3A = arith.constant 1 : i32
      %ge3A_140 = arith.cmpi sge, %add3A_122, %ge3A : i32
      %add3A_141 = arith.constant 5 : i32
      %add3A_142 = arith.addi %add3A_122, %add3A_141 : i32
      %lt3A_143 = arith.constant 84 : i32
      %lt3A_144 = arith.cmpi slt, %add3A_142, %lt3A_143 : i32
      %and3A = arith.andi %ge3A_140, %lt3A_144 : i1
      %convert_element_type3A_145 = arith.extui %and3A : i1 to i32
      %cond3A_146 = arith.constant 0 : i32
      %cond3A_147 = arith.cmpi ne, %convert_element_type3A_145, %cond3A_146 : i32
      scf.if %cond3A_147 {
        %add3A_318 = arith.constant 5 : i32
        %add3A_319 = arith.addi %add3A_122, %add3A_318 : i32
        %dma_start3A_320 = arith.constant 0 : i32
        %dma_start3A_321 = arith.constant 0 : i32
        %dma_start3A_322 = tpu.memref_slice %arg3[%add3A, %add3A_319, %dma_start3A_320, %dma_start3A_321] : memref<32x84x2x128xi32, #tpu.memory_space<hbm>> -> memref<1x1x2x128xi32, #tpu.memory_space<hbm>>
        %dma_start3A_323 = tpu.memref_squeeze %dma_start3A_322 : memref<1x1x2x128xi32, #tpu.memory_space<hbm>> -> memref<2x128xi32, #tpu.memory_space<hbm>>
        %dma_start3A_324 = arith.constant 0 : i32
        %dma_start3A_325 = arith.constant 0 : i32
        %dma_start3A_326 = tpu.memref_slice %arg3[%add3A, %add3A_319, %dma_start3A_324, %dma_start3A_325] : memref<32x84x2x128xi32, #tpu.memory_space<hbm>> -> memref<1x1x2x128xi32, #tpu.memory_space<hbm>>
        %dma_start3A_327 = tpu.memref_squeeze %dma_start3A_326 : memref<1x1x2x128xi32, #tpu.memory_space<hbm>> -> memref<2x128xi32, #tpu.memory_space<hbm>>
        tpu.enqueue_dma source(%dma_start3A_327 : memref<2x128xi32, #tpu.memory_space<hbm>>) target(%arg12 : memref<2x128xi32, #tpu.memory_space<vmem>>) target_semaphore(%arg21 : memref<!tpu.dma_semaphore, #tpu.memory_space<semaphore_mem>>)
      } else {
      }
      %mul3A_148 = arith.constant 6 : i32
      %mul3A_149 = arith.muli %scan3A_118, %mul3A_148 : i32
      %add3A_150 = arith.constant 1 : i32
      %add3A_151 = arith.addi %mul3A_149, %add3A_150 : i32
      %dma_wait3A_152 = arith.constant 0 : i32
      %dma_wait3A_153 = arith.constant 0 : i32
      %dma_wait3A_154 = tpu.memref_slice %arg2[%dma_wait3A_152, %dma_wait3A_153] : memref<10240x128xf32, #tpu.memory_space<hbm>> -> memref<128x128xf32, #tpu.memory_space<hbm>>
      %dma_wait3A_155 = arith.constant 0 : i32
      %dma_wait3A_156 = arith.constant 0 : i32
      %dma_wait3A_157 = tpu.memref_slice %arg2[%dma_wait3A_155, %dma_wait3A_156] : memref<10240x128xf32, #tpu.memory_space<hbm>> -> memref<128x128xf32, #tpu.memory_space<hbm>>
      tpu.wait_dma2 semaphore(%arg23 : memref<!tpu.dma_semaphore, #tpu.memory_space<semaphore_mem>>) src(%dma_wait3A_157 : memref<128x128xf32, #tpu.memory_space<hbm>>) dst(%arg14 : memref<128x128xf32, #tpu.memory_space<vmem>>)
      %dma_start3A_158 = arith.constant 1 : i32
      %dma_start3A_159 = arith.constant 0 : i32
      %dma_start3A_160 = tpu.memref_slice %arg8[%dma_start3A_158, %dma_start3A_159] : memref<2x128xi32, #tpu.memory_space<vmem>> -> memref<1x128xi32, #tpu.memory_space<vmem>>
      %dma_start3A_161 = tpu.memref_squeeze %dma_start3A_160 : memref<1x128xi32, #tpu.memory_space<vmem>> -> memref<128xi32, #tpu.memory_space<vmem>>
      %dma_start3A_162 = arith.constant 0 : i32
      %dma_start3A_163 = arith.constant 0 : i32
      %dma_start3A_164 = tpu.memref_slice %arg6[%dma_start3A_162, %dma_start3A_163] : memref<10000x128xf32, #tpu.memory_space<vmem_shared>> -> memref<10000x128xf32, #tpu.memory_space<vmem_shared>>
      tpu.enqueue_indirect_dma source(%arg14 : memref<128x128xf32, #tpu.memory_space<vmem>>) target(%dma_start3A_164 : memref<10000x128xf32, #tpu.memory_space<vmem_shared>>) offsets(%dma_start3A_161 : memref<128xi32, #tpu.memory_space<vmem>>) semaphore(%arg26 : memref<!tpu.dma_semaphore, #tpu.memory_space<semaphore_mem>>) {add = true}
      %add3A_165 = arith.constant 2 : i32
      %add3A_166 = arith.addi %add3A_151, %add3A_165 : i32
      %lt3A_167 = arith.constant 84 : i32
      %lt3A_168 = arith.cmpi slt, %add3A_166, %lt3A_167 : i32
      %convert_element_type3A_169 = arith.extui %lt3A_168 : i1 to i32
      %cond3A_170 = arith.constant 0 : i32
      %cond3A_171 = arith.cmpi ne, %convert_element_type3A_169, %cond3A_170 : i32
      scf.if %cond3A_171 {
        %ge3A_318 = arith.constant 1 : i32
        %ge3A_319 = arith.cmpi sge, %add3A_151, %ge3A_318 : i32
        %convert_element_type3A_320 = arith.extui %ge3A_319 : i1 to i32
        %cond3A_321 = arith.constant 0 : i32
        %cond3A_322 = arith.cmpi ne, %convert_element_type3A_320, %cond3A_321 : i32
        scf.if %cond3A_322 {
          %dma_wait3A_339 = arith.constant 1 : i32
          %dma_wait3A_340 = arith.constant 0 : i32
          %dma_wait3A_341 = tpu.memref_slice %arg7[%dma_wait3A_339, %dma_wait3A_340] : memref<2x128xi32, #tpu.memory_space<vmem>> -> memref<1x128xi32, #tpu.memory_space<vmem>>
          %dma_wait3A_342 = tpu.memref_squeeze %dma_wait3A_341 : memref<1x128xi32, #tpu.memory_space<vmem>> -> memref<128xi32, #tpu.memory_space<vmem>>
          %dma_wait3A_343 = arith.constant 0 : i32
          %dma_wait3A_344 = arith.constant 0 : i32
          %dma_wait3A_345 = tpu.memref_slice %arg6[%dma_wait3A_343, %dma_wait3A_344] : memref<10000x128xf32, #tpu.memory_space<vmem_shared>> -> memref<10000x128xf32, #tpu.memory_space<vmem_shared>>
          tpu.wait_indirect_dma semaphore(%arg25 : memref<!tpu.dma_semaphore, #tpu.memory_space<semaphore_mem>>) src(%arg13 : memref<128x128xf32, #tpu.memory_space<vmem>>) dst(%dma_wait3A_345 : memref<10000x128xf32, #tpu.memory_space<vmem_shared>>)
        } else {
        }
        %dma_wait3A_323 = arith.constant 0 : i32
        %dma_wait3A_324 = arith.constant 0 : i32
        %dma_wait3A_325 = arith.constant 0 : i32
        %dma_wait3A_326 = tpu.memref_slice %arg3[%add3A, %dma_wait3A_323, %dma_wait3A_324, %dma_wait3A_325] : memref<32x84x2x128xi32, #tpu.memory_space<hbm>> -> memref<1x1x2x128xi32, #tpu.memory_space<hbm>>
        %dma_wait3A_327 = tpu.memref_squeeze %dma_wait3A_326 : memref<1x1x2x128xi32, #tpu.memory_space<hbm>> -> memref<2x128xi32, #tpu.memory_space<hbm>>
        %dma_wait3A_328 = arith.constant 0 : i32
        %dma_wait3A_329 = arith.constant 0 : i32
        %dma_wait3A_330 = tpu.memref_slice %arg3[%add3A, %dma_wait3A_323, %dma_wait3A_328, %dma_wait3A_329] : memref<32x84x2x128xi32, #tpu.memory_space<hbm>> -> memref<1x1x2x128xi32, #tpu.memory_space<hbm>>
        %dma_wait3A_331 = tpu.memref_squeeze %dma_wait3A_330 : memref<1x1x2x128xi32, #tpu.memory_space<hbm>> -> memref<2x128xi32, #tpu.memory_space<hbm>>
        tpu.wait_dma2 semaphore(%arg19 : memref<!tpu.dma_semaphore, #tpu.memory_space<semaphore_mem>>) src(%dma_wait3A_331 : memref<2x128xi32, #tpu.memory_space<hbm>>) dst(%arg10 : memref<2x128xi32, #tpu.memory_space<vmem>>)
        %dma_start3A_332 = arith.constant 0 : i32
        %dma_start3A_333 = arith.constant 0 : i32
        %dma_start3A_334 = tpu.memref_slice %arg10[%dma_start3A_332, %dma_start3A_333] : memref<2x128xi32, #tpu.memory_space<vmem>> -> memref<1x128xi32, #tpu.memory_space<vmem>>
        %dma_start3A_335 = tpu.memref_squeeze %dma_start3A_334 : memref<1x128xi32, #tpu.memory_space<vmem>> -> memref<128xi32, #tpu.memory_space<vmem>>
        %dma_start3A_336 = arith.constant 0 : i32
        %dma_start3A_337 = arith.constant 0 : i32
        %dma_start3A_338 = tpu.memref_slice %arg2[%dma_start3A_336, %dma_start3A_337] : memref<10240x128xf32, #tpu.memory_space<hbm>> -> memref<10240x128xf32, #tpu.memory_space<hbm>>
        tpu.enqueue_indirect_dma source(%dma_start3A_338 : memref<10240x128xf32, #tpu.memory_space<hbm>>) target(%arg13 : memref<128x128xf32, #tpu.memory_space<vmem>>) offsets(%dma_start3A_335 : memref<128xi32, #tpu.memory_space<vmem>>) semaphore(%arg22 : memref<!tpu.dma_semaphore, #tpu.memory_space<semaphore_mem>>)
      } else {
      }
      %ge3A_172 = arith.constant 1 : i32
      %ge3A_173 = arith.cmpi sge, %add3A_151, %ge3A_172 : i32
      %add3A_174 = arith.constant 5 : i32
      %add3A_175 = arith.addi %add3A_151, %add3A_174 : i32
      %lt3A_176 = arith.constant 84 : i32
      %lt3A_177 = arith.cmpi slt, %add3A_175, %lt3A_176 : i32
      %and3A_178 = arith.andi %ge3A_173, %lt3A_177 : i1
      %convert_element_type3A_179 = arith.extui %and3A_178 : i1 to i32
      %cond3A_180 = arith.constant 0 : i32
      %cond3A_181 = arith.cmpi ne, %convert_element_type3A_179, %cond3A_180 : i32
      scf.if %cond3A_181 {
        %add3A_318 = arith.constant 5 : i32
        %add3A_319 = arith.addi %add3A_151, %add3A_318 : i32
        %dma_start3A_320 = arith.constant 0 : i32
        %dma_start3A_321 = arith.constant 0 : i32
        %dma_start3A_322 = tpu.memref_slice %arg3[%add3A, %add3A_319, %dma_start3A_320, %dma_start3A_321] : memref<32x84x2x128xi32, #tpu.memory_space<hbm>> -> memref<1x1x2x128xi32, #tpu.memory_space<hbm>>
        %dma_start3A_323 = tpu.memref_squeeze %dma_start3A_322 : memref<1x1x2x128xi32, #tpu.memory_space<hbm>> -> memref<2x128xi32, #tpu.memory_space<hbm>>
        %dma_start3A_324 = arith.constant 0 : i32
        %dma_start3A_325 = arith.constant 0 : i32
        %dma_start3A_326 = tpu.memref_slice %arg3[%add3A, %add3A_319, %dma_start3A_324, %dma_start3A_325] : memref<32x84x2x128xi32, #tpu.memory_space<hbm>> -> memref<1x1x2x128xi32, #tpu.memory_space<hbm>>
        %dma_start3A_327 = tpu.memref_squeeze %dma_start3A_326 : memref<1x1x2x128xi32, #tpu.memory_space<hbm>> -> memref<2x128xi32, #tpu.memory_space<hbm>>
        tpu.enqueue_dma source(%dma_start3A_327 : memref<2x128xi32, #tpu.memory_space<hbm>>) target(%arg7 : memref<2x128xi32, #tpu.memory_space<vmem>>) target_semaphore(%arg16 : memref<!tpu.dma_semaphore, #tpu.memory_space<semaphore_mem>>)
      } else {
      }
      %mul3A_182 = arith.constant 6 : i32
      %mul3A_183 = arith.muli %scan3A_118, %mul3A_182 : i32
      %add3A_184 = arith.constant 2 : i32
      %add3A_185 = arith.addi %mul3A_183, %add3A_184 : i32
      %dma_wait3A_186 = arith.constant 0 : i32
      %dma_wait3A_187 = arith.constant 0 : i32
      %dma_wait3A_188 = tpu.memref_slice %arg2[%dma_wait3A_186, %dma_wait3A_187] : memref<10240x128xf32, #tpu.memory_space<hbm>> -> memref<128x128xf32, #tpu.memory_space<hbm>>
      %dma_wait3A_189 = arith.constant 0 : i32
      %dma_wait3A_190 = arith.constant 0 : i32
      %dma_wait3A_191 = tpu.memref_slice %arg2[%dma_wait3A_189, %dma_wait3A_190] : memref<10240x128xf32, #tpu.memory_space<hbm>> -> memref<128x128xf32, #tpu.memory_space<hbm>>
      tpu.wait_dma2 semaphore(%arg24 : memref<!tpu.dma_semaphore, #tpu.memory_space<semaphore_mem>>) src(%dma_wait3A_191 : memref<128x128xf32, #tpu.memory_space<hbm>>) dst(%arg15 : memref<128x128xf32, #tpu.memory_space<vmem>>)
      %dma_start3A_192 = arith.constant 1 : i32
      %dma_start3A_193 = arith.constant 0 : i32
      %dma_start3A_194 = tpu.memref_slice %arg9[%dma_start3A_192, %dma_start3A_193] : memref<2x128xi32, #tpu.memory_space<vmem>> -> memref<1x128xi32, #tpu.memory_space<vmem>>
      %dma_start3A_195 = tpu.memref_squeeze %dma_start3A_194 : memref<1x128xi32, #tpu.memory_space<vmem>> -> memref<128xi32, #tpu.memory_space<vmem>>
      %dma_start3A_196 = arith.constant 0 : i32
      %dma_start3A_197 = arith.constant 0 : i32
      %dma_start3A_198 = tpu.memref_slice %arg6[%dma_start3A_196, %dma_start3A_197] : memref<10000x128xf32, #tpu.memory_space<vmem_shared>> -> memref<10000x128xf32, #tpu.memory_space<vmem_shared>>
      tpu.enqueue_indirect_dma source(%arg15 : memref<128x128xf32, #tpu.memory_space<vmem>>) target(%dma_start3A_198 : memref<10000x128xf32, #tpu.memory_space<vmem_shared>>) offsets(%dma_start3A_195 : memref<128xi32, #tpu.memory_space<vmem>>) semaphore(%arg27 : memref<!tpu.dma_semaphore, #tpu.memory_space<semaphore_mem>>) {add = true}
      %add3A_199 = arith.constant 2 : i32
      %add3A_200 = arith.addi %add3A_185, %add3A_199 : i32
      %lt3A_201 = arith.constant 84 : i32
      %lt3A_202 = arith.cmpi slt, %add3A_200, %lt3A_201 : i32
      %convert_element_type3A_203 = arith.extui %lt3A_202 : i1 to i32
      %cond3A_204 = arith.constant 0 : i32
      %cond3A_205 = arith.cmpi ne, %convert_element_type3A_203, %cond3A_204 : i32
      scf.if %cond3A_205 {
        %ge3A_318 = arith.constant 1 : i32
        %ge3A_319 = arith.cmpi sge, %add3A_185, %ge3A_318 : i32
        %convert_element_type3A_320 = arith.extui %ge3A_319 : i1 to i32
        %cond3A_321 = arith.constant 0 : i32
        %cond3A_322 = arith.cmpi ne, %convert_element_type3A_320, %cond3A_321 : i32
        scf.if %cond3A_322 {
          %dma_wait3A_339 = arith.constant 1 : i32
          %dma_wait3A_340 = arith.constant 0 : i32
          %dma_wait3A_341 = tpu.memref_slice %arg7[%dma_wait3A_339, %dma_wait3A_340] : memref<2x128xi32, #tpu.memory_space<vmem>> -> memref<1x128xi32, #tpu.memory_space<vmem>>
          %dma_wait3A_342 = tpu.memref_squeeze %dma_wait3A_341 : memref<1x128xi32, #tpu.memory_space<vmem>> -> memref<128xi32, #tpu.memory_space<vmem>>
          %dma_wait3A_343 = arith.constant 0 : i32
          %dma_wait3A_344 = arith.constant 0 : i32
          %dma_wait3A_345 = tpu.memref_slice %arg6[%dma_wait3A_343, %dma_wait3A_344] : memref<10000x128xf32, #tpu.memory_space<vmem_shared>> -> memref<10000x128xf32, #tpu.memory_space<vmem_shared>>
          tpu.wait_indirect_dma semaphore(%arg26 : memref<!tpu.dma_semaphore, #tpu.memory_space<semaphore_mem>>) src(%arg14 : memref<128x128xf32, #tpu.memory_space<vmem>>) dst(%dma_wait3A_345 : memref<10000x128xf32, #tpu.memory_space<vmem_shared>>)
        } else {
        }
        %dma_wait3A_323 = arith.constant 0 : i32
        %dma_wait3A_324 = arith.constant 0 : i32
        %dma_wait3A_325 = arith.constant 0 : i32
        %dma_wait3A_326 = tpu.memref_slice %arg3[%add3A, %dma_wait3A_323, %dma_wait3A_324, %dma_wait3A_325] : memref<32x84x2x128xi32, #tpu.memory_space<hbm>> -> memref<1x1x2x128xi32, #tpu.memory_space<hbm>>
        %dma_wait3A_327 = tpu.memref_squeeze %dma_wait3A_326 : memref<1x1x2x128xi32, #tpu.memory_space<hbm>> -> memref<2x128xi32, #tpu.memory_space<hbm>>
        %dma_wait3A_328 = arith.constant 0 : i32
        %dma_wait3A_329 = arith.constant 0 : i32
        %dma_wait3A_330 = tpu.memref_slice %arg3[%add3A, %dma_wait3A_323, %dma_wait3A_328, %dma_wait3A_329] : memref<32x84x2x128xi32, #tpu.memory_space<hbm>> -> memref<1x1x2x128xi32, #tpu.memory_space<hbm>>
        %dma_wait3A_331 = tpu.memref_squeeze %dma_wait3A_330 : memref<1x1x2x128xi32, #tpu.memory_space<hbm>> -> memref<2x128xi32, #tpu.memory_space<hbm>>
        tpu.wait_dma2 semaphore(%arg20 : memref<!tpu.dma_semaphore, #tpu.memory_space<semaphore_mem>>) src(%dma_wait3A_331 : memref<2x128xi32, #tpu.memory_space<hbm>>) dst(%arg11 : memref<2x128xi32, #tpu.memory_space<vmem>>)
        %dma_start3A_332 = arith.constant 0 : i32
        %dma_start3A_333 = arith.constant 0 : i32
        %dma_start3A_334 = tpu.memref_slice %arg11[%dma_start3A_332, %dma_start3A_333] : memref<2x128xi32, #tpu.memory_space<vmem>> -> memref<1x128xi32, #tpu.memory_space<vmem>>
        %dma_start3A_335 = tpu.memref_squeeze %dma_start3A_334 : memref<1x128xi32, #tpu.memory_space<vmem>> -> memref<128xi32, #tpu.memory_space<vmem>>
        %dma_start3A_336 = arith.constant 0 : i32
        %dma_start3A_337 = arith.constant 0 : i32
        %dma_start3A_338 = tpu.memref_slice %arg2[%dma_start3A_336, %dma_start3A_337] : memref<10240x128xf32, #tpu.memory_space<hbm>> -> memref<10240x128xf32, #tpu.memory_space<hbm>>
        tpu.enqueue_indirect_dma source(%dma_start3A_338 : memref<10240x128xf32, #tpu.memory_space<hbm>>) target(%arg14 : memref<128x128xf32, #tpu.memory_space<vmem>>) offsets(%dma_start3A_335 : memref<128xi32, #tpu.memory_space<vmem>>) semaphore(%arg23 : memref<!tpu.dma_semaphore, #tpu.memory_space<semaphore_mem>>)
      } else {
      }
      %ge3A_206 = arith.constant 1 : i32
      %ge3A_207 = arith.cmpi sge, %add3A_185, %ge3A_206 : i32
      %add3A_208 = arith.constant 5 : i32
      %add3A_209 = arith.addi %add3A_185, %add3A_208 : i32
      %lt3A_210 = arith.constant 84 : i32
      %lt3A_211 = arith.cmpi slt, %add3A_209, %lt3A_210 : i32
      %and3A_212 = arith.andi %ge3A_207, %lt3A_211 : i1
      %convert_element_type3A_213 = arith.extui %and3A_212 : i1 to i32
      %cond3A_214 = arith.constant 0 : i32
      %cond3A_215 = arith.cmpi ne, %convert_element_type3A_213, %cond3A_214 : i32
      scf.if %cond3A_215 {
        %add3A_318 = arith.constant 5 : i32
        %add3A_319 = arith.addi %add3A_185, %add3A_318 : i32
        %dma_start3A_320 = arith.constant 0 : i32
        %dma_start3A_321 = arith.constant 0 : i32
        %dma_start3A_322 = tpu.memref_slice %arg3[%add3A, %add3A_319, %dma_start3A_320, %dma_start3A_321] : memref<32x84x2x128xi32, #tpu.memory_space<hbm>> -> memref<1x1x2x128xi32, #tpu.memory_space<hbm>>
        %dma_start3A_323 = tpu.memref_squeeze %dma_start3A_322 : memref<1x1x2x128xi32, #tpu.memory_space<hbm>> -> memref<2x128xi32, #tpu.memory_space<hbm>>
        %dma_start3A_324 = arith.constant 0 : i32
        %dma_start3A_325 = arith.constant 0 : i32
        %dma_start3A_326 = tpu.memref_slice %arg3[%add3A, %add3A_319, %dma_start3A_324, %dma_start3A_325] : memref<32x84x2x128xi32, #tpu.memory_space<hbm>> -> memref<1x1x2x128xi32, #tpu.memory_space<hbm>>
        %dma_start3A_327 = tpu.memref_squeeze %dma_start3A_326 : memref<1x1x2x128xi32, #tpu.memory_space<hbm>> -> memref<2x128xi32, #tpu.memory_space<hbm>>
        tpu.enqueue_dma source(%dma_start3A_327 : memref<2x128xi32, #tpu.memory_space<hbm>>) target(%arg8 : memref<2x128xi32, #tpu.memory_space<vmem>>) target_semaphore(%arg17 : memref<!tpu.dma_semaphore, #tpu.memory_space<semaphore_mem>>)
      } else {
      }
      %mul3A_216 = arith.constant 6 : i32
      %mul3A_217 = arith.muli %scan3A_118, %mul3A_216 : i32
      %add3A_218 = arith.constant 3 : i32
      %add3A_219 = arith.addi %mul3A_217, %add3A_218 : i32
      %dma_wait3A_220 = arith.constant 0 : i32
      %dma_wait3A_221 = arith.constant 0 : i32
      %dma_wait3A_222 = tpu.memref_slice %arg2[%dma_wait3A_220, %dma_wait3A_221] : memref<10240x128xf32, #tpu.memory_space<hbm>> -> memref<128x128xf32, #tpu.memory_space<hbm>>
      %dma_wait3A_223 = arith.constant 0 : i32
      %dma_wait3A_224 = arith.constant 0 : i32
      %dma_wait3A_225 = tpu.memref_slice %arg2[%dma_wait3A_223, %dma_wait3A_224] : memref<10240x128xf32, #tpu.memory_space<hbm>> -> memref<128x128xf32, #tpu.memory_space<hbm>>
      tpu.wait_dma2 semaphore(%arg22 : memref<!tpu.dma_semaphore, #tpu.memory_space<semaphore_mem>>) src(%dma_wait3A_225 : memref<128x128xf32, #tpu.memory_space<hbm>>) dst(%arg13 : memref<128x128xf32, #tpu.memory_space<vmem>>)
      %dma_start3A_226 = arith.constant 1 : i32
      %dma_start3A_227 = arith.constant 0 : i32
      %dma_start3A_228 = tpu.memref_slice %arg10[%dma_start3A_226, %dma_start3A_227] : memref<2x128xi32, #tpu.memory_space<vmem>> -> memref<1x128xi32, #tpu.memory_space<vmem>>
      %dma_start3A_229 = tpu.memref_squeeze %dma_start3A_228 : memref<1x128xi32, #tpu.memory_space<vmem>> -> memref<128xi32, #tpu.memory_space<vmem>>
      %dma_start3A_230 = arith.constant 0 : i32
      %dma_start3A_231 = arith.constant 0 : i32
      %dma_start3A_232 = tpu.memref_slice %arg6[%dma_start3A_230, %dma_start3A_231] : memref<10000x128xf32, #tpu.memory_space<vmem_shared>> -> memref<10000x128xf32, #tpu.memory_space<vmem_shared>>
      tpu.enqueue_indirect_dma source(%arg13 : memref<128x128xf32, #tpu.memory_space<vmem>>) target(%dma_start3A_232 : memref<10000x128xf32, #tpu.memory_space<vmem_shared>>) offsets(%dma_start3A_229 : memref<128xi32, #tpu.memory_space<vmem>>) semaphore(%arg25 : memref<!tpu.dma_semaphore, #tpu.memory_space<semaphore_mem>>) {add = true}
      %add3A_233 = arith.constant 2 : i32
      %add3A_234 = arith.addi %add3A_219, %add3A_233 : i32
      %lt3A_235 = arith.constant 84 : i32
      %lt3A_236 = arith.cmpi slt, %add3A_234, %lt3A_235 : i32
      %convert_element_type3A_237 = arith.extui %lt3A_236 : i1 to i32
      %cond3A_238 = arith.constant 0 : i32
      %cond3A_239 = arith.cmpi ne, %convert_element_type3A_237, %cond3A_238 : i32
      scf.if %cond3A_239 {
        %ge3A_318 = arith.constant 1 : i32
        %ge3A_319 = arith.cmpi sge, %add3A_219, %ge3A_318 : i32
        %convert_element_type3A_320 = arith.extui %ge3A_319 : i1 to i32
        %cond3A_321 = arith.constant 0 : i32
        %cond3A_322 = arith.cmpi ne, %convert_element_type3A_320, %cond3A_321 : i32
        scf.if %cond3A_322 {
          %dma_wait3A_339 = arith.constant 1 : i32
          %dma_wait3A_340 = arith.constant 0 : i32
          %dma_wait3A_341 = tpu.memref_slice %arg7[%dma_wait3A_339, %dma_wait3A_340] : memref<2x128xi32, #tpu.memory_space<vmem>> -> memref<1x128xi32, #tpu.memory_space<vmem>>
          %dma_wait3A_342 = tpu.memref_squeeze %dma_wait3A_341 : memref<1x128xi32, #tpu.memory_space<vmem>> -> memref<128xi32, #tpu.memory_space<vmem>>
          %dma_wait3A_343 = arith.constant 0 : i32
          %dma_wait3A_344 = arith.constant 0 : i32
          %dma_wait3A_345 = tpu.memref_slice %arg6[%dma_wait3A_343, %dma_wait3A_344] : memref<10000x128xf32, #tpu.memory_space<vmem_shared>> -> memref<10000x128xf32, #tpu.memory_space<vmem_shared>>
          tpu.wait_indirect_dma semaphore(%arg27 : memref<!tpu.dma_semaphore, #tpu.memory_space<semaphore_mem>>) src(%arg15 : memref<128x128xf32, #tpu.memory_space<vmem>>) dst(%dma_wait3A_345 : memref<10000x128xf32, #tpu.memory_space<vmem_shared>>)
        } else {
        }
        %dma_wait3A_323 = arith.constant 0 : i32
        %dma_wait3A_324 = arith.constant 0 : i32
        %dma_wait3A_325 = arith.constant 0 : i32
        %dma_wait3A_326 = tpu.memref_slice %arg3[%add3A, %dma_wait3A_323, %dma_wait3A_324, %dma_wait3A_325] : memref<32x84x2x128xi32, #tpu.memory_space<hbm>> -> memref<1x1x2x128xi32, #tpu.memory_space<hbm>>
        %dma_wait3A_327 = tpu.memref_squeeze %dma_wait3A_326 : memref<1x1x2x128xi32, #tpu.memory_space<hbm>> -> memref<2x128xi32, #tpu.memory_space<hbm>>
        %dma_wait3A_328 = arith.constant 0 : i32
        %dma_wait3A_329 = arith.constant 0 : i32
        %dma_wait3A_330 = tpu.memref_slice %arg3[%add3A, %dma_wait3A_323, %dma_wait3A_328, %dma_wait3A_329] : memref<32x84x2x128xi32, #tpu.memory_space<hbm>> -> memref<1x1x2x128xi32, #tpu.memory_space<hbm>>
        %dma_wait3A_331 = tpu.memref_squeeze %dma_wait3A_330 : memref<1x1x2x128xi32, #tpu.memory_space<hbm>> -> memref<2x128xi32, #tpu.memory_space<hbm>>
        tpu.wait_dma2 semaphore(%arg21 : memref<!tpu.dma_semaphore, #tpu.memory_space<semaphore_mem>>) src(%dma_wait3A_331 : memref<2x128xi32, #tpu.memory_space<hbm>>) dst(%arg12 : memref<2x128xi32, #tpu.memory_space<vmem>>)
        %dma_start3A_332 = arith.constant 0 : i32
        %dma_start3A_333 = arith.constant 0 : i32
        %dma_start3A_334 = tpu.memref_slice %arg12[%dma_start3A_332, %dma_start3A_333] : memref<2x128xi32, #tpu.memory_space<vmem>> -> memref<1x128xi32, #tpu.memory_space<vmem>>
        %dma_start3A_335 = tpu.memref_squeeze %dma_start3A_334 : memref<1x128xi32, #tpu.memory_space<vmem>> -> memref<128xi32, #tpu.memory_space<vmem>>
        %dma_start3A_336 = arith.constant 0 : i32
        %dma_start3A_337 = arith.constant 0 : i32
        %dma_start3A_338 = tpu.memref_slice %arg2[%dma_start3A_336, %dma_start3A_337] : memref<10240x128xf32, #tpu.memory_space<hbm>> -> memref<10240x128xf32, #tpu.memory_space<hbm>>
        tpu.enqueue_indirect_dma source(%dma_start3A_338 : memref<10240x128xf32, #tpu.memory_space<hbm>>) target(%arg15 : memref<128x128xf32, #tpu.memory_space<vmem>>) offsets(%dma_start3A_335 : memref<128xi32, #tpu.memory_space<vmem>>) semaphore(%arg24 : memref<!tpu.dma_semaphore, #tpu.memory_space<semaphore_mem>>)
      } else {
      }
      %ge3A_240 = arith.constant 1 : i32
      %ge3A_241 = arith.cmpi sge, %add3A_219, %ge3A_240 : i32
      %add3A_242 = arith.constant 5 : i32
      %add3A_243 = arith.addi %add3A_219, %add3A_242 : i32
      %lt3A_244 = arith.constant 84 : i32
      %lt3A_245 = arith.cmpi slt, %add3A_243, %lt3A_244 : i32
      %and3A_246 = arith.andi %ge3A_241, %lt3A_245 : i1
      %convert_element_type3A_247 = arith.extui %and3A_246 : i1 to i32
      %cond3A_248 = arith.constant 0 : i32
      %cond3A_249 = arith.cmpi ne, %convert_element_type3A_247, %cond3A_248 : i32
      scf.if %cond3A_249 {
        %add3A_318 = arith.constant 5 : i32
        %add3A_319 = arith.addi %add3A_219, %add3A_318 : i32
        %dma_start3A_320 = arith.constant 0 : i32
        %dma_start3A_321 = arith.constant 0 : i32
        %dma_start3A_322 = tpu.memref_slice %arg3[%add3A, %add3A_319, %dma_start3A_320, %dma_start3A_321] : memref<32x84x2x128xi32, #tpu.memory_space<hbm>> -> memref<1x1x2x128xi32, #tpu.memory_space<hbm>>
        %dma_start3A_323 = tpu.memref_squeeze %dma_start3A_322 : memref<1x1x2x128xi32, #tpu.memory_space<hbm>> -> memref<2x128xi32, #tpu.memory_space<hbm>>
        %dma_start3A_324 = arith.constant 0 : i32
        %dma_start3A_325 = arith.constant 0 : i32
        %dma_start3A_326 = tpu.memref_slice %arg3[%add3A, %add3A_319, %dma_start3A_324, %dma_start3A_325] : memref<32x84x2x128xi32, #tpu.memory_space<hbm>> -> memref<1x1x2x128xi32, #tpu.memory_space<hbm>>
        %dma_start3A_327 = tpu.memref_squeeze %dma_start3A_326 : memref<1x1x2x128xi32, #tpu.memory_space<hbm>> -> memref<2x128xi32, #tpu.memory_space<hbm>>
        tpu.enqueue_dma source(%dma_start3A_327 : memref<2x128xi32, #tpu.memory_space<hbm>>) target(%arg9 : memref<2x128xi32, #tpu.memory_space<vmem>>) target_semaphore(%arg18 : memref<!tpu.dma_semaphore, #tpu.memory_space<semaphore_mem>>)
      } else {
      }
      %mul3A_250 = arith.constant 6 : i32
      %mul3A_251 = arith.muli %scan3A_118, %mul3A_250 : i32
      %add3A_252 = arith.constant 4 : i32
      %add3A_253 = arith.addi %mul3A_251, %add3A_252 : i32
      %dma_wait3A_254 = arith.constant 0 : i32
      %dma_wait3A_255 = arith.constant 0 : i32
      %dma_wait3A_256 = tpu.memref_slice %arg2[%dma_wait3A_254, %dma_wait3A_255] : memref<10240x128xf32, #tpu.memory_space<hbm>> -> memref<128x128xf32, #tpu.memory_space<hbm>>
      %dma_wait3A_257 = arith.constant 0 : i32
      %dma_wait3A_258 = arith.constant 0 : i32
      %dma_wait3A_259 = tpu.memref_slice %arg2[%dma_wait3A_257, %dma_wait3A_258] : memref<10240x128xf32, #tpu.memory_space<hbm>> -> memref<128x128xf32, #tpu.memory_space<hbm>>
      tpu.wait_dma2 semaphore(%arg23 : memref<!tpu.dma_semaphore, #tpu.memory_space<semaphore_mem>>) src(%dma_wait3A_259 : memref<128x128xf32, #tpu.memory_space<hbm>>) dst(%arg14 : memref<128x128xf32, #tpu.memory_space<vmem>>)
      %dma_start3A_260 = arith.constant 1 : i32
      %dma_start3A_261 = arith.constant 0 : i32
      %dma_start3A_262 = tpu.memref_slice %arg11[%dma_start3A_260, %dma_start3A_261] : memref<2x128xi32, #tpu.memory_space<vmem>> -> memref<1x128xi32, #tpu.memory_space<vmem>>
      %dma_start3A_263 = tpu.memref_squeeze %dma_start3A_262 : memref<1x128xi32, #tpu.memory_space<vmem>> -> memref<128xi32, #tpu.memory_space<vmem>>
      %dma_start3A_264 = arith.constant 0 : i32
      %dma_start3A_265 = arith.constant 0 : i32
      %dma_start3A_266 = tpu.memref_slice %arg6[%dma_start3A_264, %dma_start3A_265] : memref<10000x128xf32, #tpu.memory_space<vmem_shared>> -> memref<10000x128xf32, #tpu.memory_space<vmem_shared>>
      tpu.enqueue_indirect_dma source(%arg14 : memref<128x128xf32, #tpu.memory_space<vmem>>) target(%dma_start3A_266 : memref<10000x128xf32, #tpu.memory_space<vmem_shared>>) offsets(%dma_start3A_263 : memref<128xi32, #tpu.memory_space<vmem>>) semaphore(%arg26 : memref<!tpu.dma_semaphore, #tpu.memory_space<semaphore_mem>>) {add = true}
      %add3A_267 = arith.constant 2 : i32
      %add3A_268 = arith.addi %add3A_253, %add3A_267 : i32
      %lt3A_269 = arith.constant 84 : i32
      %lt3A_270 = arith.cmpi slt, %add3A_268, %lt3A_269 : i32
      %convert_element_type3A_271 = arith.extui %lt3A_270 : i1 to i32
      %cond3A_272 = arith.constant 0 : i32
      %cond3A_273 = arith.cmpi ne, %convert_element_type3A_271, %cond3A_272 : i32
      scf.if %cond3A_273 {
        %ge3A_318 = arith.constant 1 : i32
        %ge3A_319 = arith.cmpi sge, %add3A_253, %ge3A_318 : i32
        %convert_element_type3A_320 = arith.extui %ge3A_319 : i1 to i32
        %cond3A_321 = arith.constant 0 : i32
        %cond3A_322 = arith.cmpi ne, %convert_element_type3A_320, %cond3A_321 : i32
        scf.if %cond3A_322 {
          %dma_wait3A_339 = arith.constant 1 : i32
          %dma_wait3A_340 = arith.constant 0 : i32
          %dma_wait3A_341 = tpu.memref_slice %arg7[%dma_wait3A_339, %dma_wait3A_340] : memref<2x128xi32, #tpu.memory_space<vmem>> -> memref<1x128xi32, #tpu.memory_space<vmem>>
          %dma_wait3A_342 = tpu.memref_squeeze %dma_wait3A_341 : memref<1x128xi32, #tpu.memory_space<vmem>> -> memref<128xi32, #tpu.memory_space<vmem>>
          %dma_wait3A_343 = arith.constant 0 : i32
          %dma_wait3A_344 = arith.constant 0 : i32
          %dma_wait3A_345 = tpu.memref_slice %arg6[%dma_wait3A_343, %dma_wait3A_344] : memref<10000x128xf32, #tpu.memory_space<vmem_shared>> -> memref<10000x128xf32, #tpu.memory_space<vmem_shared>>
          tpu.wait_indirect_dma semaphore(%arg25 : memref<!tpu.dma_semaphore, #tpu.memory_space<semaphore_mem>>) src(%arg13 : memref<128x128xf32, #tpu.memory_space<vmem>>) dst(%dma_wait3A_345 : memref<10000x128xf32, #tpu.memory_space<vmem_shared>>)
        } else {
        }
        %dma_wait3A_323 = arith.constant 0 : i32
        %dma_wait3A_324 = arith.constant 0 : i32
        %dma_wait3A_325 = arith.constant 0 : i32
        %dma_wait3A_326 = tpu.memref_slice %arg3[%add3A, %dma_wait3A_323, %dma_wait3A_324, %dma_wait3A_325] : memref<32x84x2x128xi32, #tpu.memory_space<hbm>> -> memref<1x1x2x128xi32, #tpu.memory_space<hbm>>
        %dma_wait3A_327 = tpu.memref_squeeze %dma_wait3A_326 : memref<1x1x2x128xi32, #tpu.memory_space<hbm>> -> memref<2x128xi32, #tpu.memory_space<hbm>>
        %dma_wait3A_328 = arith.constant 0 : i32
        %dma_wait3A_329 = arith.constant 0 : i32
        %dma_wait3A_330 = tpu.memref_slice %arg3[%add3A, %dma_wait3A_323, %dma_wait3A_328, %dma_wait3A_329] : memref<32x84x2x128xi32, #tpu.memory_space<hbm>> -> memref<1x1x2x128xi32, #tpu.memory_space<hbm>>
        %dma_wait3A_331 = tpu.memref_squeeze %dma_wait3A_330 : memref<1x1x2x128xi32, #tpu.memory_space<hbm>> -> memref<2x128xi32, #tpu.memory_space<hbm>>
        tpu.wait_dma2 semaphore(%arg16 : memref<!tpu.dma_semaphore, #tpu.memory_space<semaphore_mem>>) src(%dma_wait3A_331 : memref<2x128xi32, #tpu.memory_space<hbm>>) dst(%arg7 : memref<2x128xi32, #tpu.memory_space<vmem>>)
        %dma_start3A_332 = arith.constant 0 : i32
        %dma_start3A_333 = arith.constant 0 : i32
        %dma_start3A_334 = tpu.memref_slice %arg7[%dma_start3A_332, %dma_start3A_333] : memref<2x128xi32, #tpu.memory_space<vmem>> -> memref<1x128xi32, #tpu.memory_space<vmem>>
        %dma_start3A_335 = tpu.memref_squeeze %dma_start3A_334 : memref<1x128xi32, #tpu.memory_space<vmem>> -> memref<128xi32, #tpu.memory_space<vmem>>
        %dma_start3A_336 = arith.constant 0 : i32
        %dma_start3A_337 = arith.constant 0 : i32
        %dma_start3A_338 = tpu.memref_slice %arg2[%dma_start3A_336, %dma_start3A_337] : memref<10240x128xf32, #tpu.memory_space<hbm>> -> memref<10240x128xf32, #tpu.memory_space<hbm>>
        tpu.enqueue_indirect_dma source(%dma_start3A_338 : memref<10240x128xf32, #tpu.memory_space<hbm>>) target(%arg13 : memref<128x128xf32, #tpu.memory_space<vmem>>) offsets(%dma_start3A_335 : memref<128xi32, #tpu.memory_space<vmem>>) semaphore(%arg22 : memref<!tpu.dma_semaphore, #tpu.memory_space<semaphore_mem>>)
      } else {
      }
      %ge3A_274 = arith.constant 1 : i32
      %ge3A_275 = arith.cmpi sge, %add3A_253, %ge3A_274 : i32
      %add3A_276 = arith.constant 5 : i32
      %add3A_277 = arith.addi %add3A_253, %add3A_276 : i32
      %lt3A_278 = arith.constant 84 : i32
      %lt3A_279 = arith.cmpi slt, %add3A_277, %lt3A_278 : i32
      %and3A_280 = arith.andi %ge3A_275, %lt3A_279 : i1
      %convert_element_type3A_281 = arith.extui %and3A_280 : i1 to i32
      %cond3A_282 = arith.constant 0 : i32
      %cond3A_283 = arith.cmpi ne, %convert_element_type3A_281, %cond3A_282 : i32
      scf.if %cond3A_283 {
        %add3A_318 = arith.constant 5 : i32
        %add3A_319 = arith.addi %add3A_253, %add3A_318 : i32
        %dma_start3A_320 = arith.constant 0 : i32
        %dma_start3A_321 = arith.constant 0 : i32
        %dma_start3A_322 = tpu.memref_slice %arg3[%add3A, %add3A_319, %dma_start3A_320, %dma_start3A_321] : memref<32x84x2x128xi32, #tpu.memory_space<hbm>> -> memref<1x1x2x128xi32, #tpu.memory_space<hbm>>
        %dma_start3A_323 = tpu.memref_squeeze %dma_start3A_322 : memref<1x1x2x128xi32, #tpu.memory_space<hbm>> -> memref<2x128xi32, #tpu.memory_space<hbm>>
        %dma_start3A_324 = arith.constant 0 : i32
        %dma_start3A_325 = arith.constant 0 : i32
        %dma_start3A_326 = tpu.memref_slice %arg3[%add3A, %add3A_319, %dma_start3A_324, %dma_start3A_325] : memref<32x84x2x128xi32, #tpu.memory_space<hbm>> -> memref<1x1x2x128xi32, #tpu.memory_space<hbm>>
        %dma_start3A_327 = tpu.memref_squeeze %dma_start3A_326 : memref<1x1x2x128xi32, #tpu.memory_space<hbm>> -> memref<2x128xi32, #tpu.memory_space<hbm>>
        tpu.enqueue_dma source(%dma_start3A_327 : memref<2x128xi32, #tpu.memory_space<hbm>>) target(%arg10 : memref<2x128xi32, #tpu.memory_space<vmem>>) target_semaphore(%arg19 : memref<!tpu.dma_semaphore, #tpu.memory_space<semaphore_mem>>)
      } else {
      }
      %mul3A_284 = arith.constant 6 : i32
      %mul3A_285 = arith.muli %scan3A_118, %mul3A_284 : i32
      %add3A_286 = arith.constant 5 : i32
      %add3A_287 = arith.addi %mul3A_285, %add3A_286 : i32
      %dma_wait3A_288 = arith.constant 0 : i32
      %dma_wait3A_289 = arith.constant 0 : i32
      %dma_wait3A_290 = tpu.memref_slice %arg2[%dma_wait3A_288, %dma_wait3A_289] : memref<10240x128xf32, #tpu.memory_space<hbm>> -> memref<128x128xf32, #tpu.memory_space<hbm>>
      %dma_wait3A_291 = arith.constant 0 : i32
      %dma_wait3A_292 = arith.constant 0 : i32
      %dma_wait3A_293 = tpu.memref_slice %arg2[%dma_wait3A_291, %dma_wait3A_292] : memref<10240x128xf32, #tpu.memory_space<hbm>> -> memref<128x128xf32, #tpu.memory_space<hbm>>
      tpu.wait_dma2 semaphore(%arg24 : memref<!tpu.dma_semaphore, #tpu.memory_space<semaphore_mem>>) src(%dma_wait3A_293 : memref<128x128xf32, #tpu.memory_space<hbm>>) dst(%arg15 : memref<128x128xf32, #tpu.memory_space<vmem>>)
      %dma_start3A_294 = arith.constant 1 : i32
      %dma_start3A_295 = arith.constant 0 : i32
      %dma_start3A_296 = tpu.memref_slice %arg12[%dma_start3A_294, %dma_start3A_295] : memref<2x128xi32, #tpu.memory_space<vmem>> -> memref<1x128xi32, #tpu.memory_space<vmem>>
      %dma_start3A_297 = tpu.memref_squeeze %dma_start3A_296 : memref<1x128xi32, #tpu.memory_space<vmem>> -> memref<128xi32, #tpu.memory_space<vmem>>
      %dma_start3A_298 = arith.constant 0 : i32
      %dma_start3A_299 = arith.constant 0 : i32
      %dma_start3A_300 = tpu.memref_slice %arg6[%dma_start3A_298, %dma_start3A_299] : memref<10000x128xf32, #tpu.memory_space<vmem_shared>> -> memref<10000x128xf32, #tpu.memory_space<vmem_shared>>
      tpu.enqueue_indirect_dma source(%arg15 : memref<128x128xf32, #tpu.memory_space<vmem>>) target(%dma_start3A_300 : memref<10000x128xf32, #tpu.memory_space<vmem_shared>>) offsets(%dma_start3A_297 : memref<128xi32, #tpu.memory_space<vmem>>) semaphore(%arg27 : memref<!tpu.dma_semaphore, #tpu.memory_space<semaphore_mem>>) {add = true}
      %add3A_301 = arith.constant 2 : i32
      %add3A_302 = arith.addi %add3A_287, %add3A_301 : i32
      %lt3A_303 = arith.constant 84 : i32
      %lt3A_304 = arith.cmpi slt, %add3A_302, %lt3A_303 : i32
      %convert_element_type3A_305 = arith.extui %lt3A_304 : i1 to i32
      %cond3A_306 = arith.constant 0 : i32
      %cond3A_307 = arith.cmpi ne, %convert_element_type3A_305, %cond3A_306 : i32
      scf.if %cond3A_307 {
        %ge3A_318 = arith.constant 1 : i32
        %ge3A_319 = arith.cmpi sge, %add3A_287, %ge3A_318 : i32
        %convert_element_type3A_320 = arith.extui %ge3A_319 : i1 to i32
        %cond3A_321 = arith.constant 0 : i32
        %cond3A_322 = arith.cmpi ne, %convert_element_type3A_320, %cond3A_321 : i32
        scf.if %cond3A_322 {
          %dma_wait3A_339 = arith.constant 1 : i32
          %dma_wait3A_340 = arith.constant 0 : i32
          %dma_wait3A_341 = tpu.memref_slice %arg7[%dma_wait3A_339, %dma_wait3A_340] : memref<2x128xi32, #tpu.memory_space<vmem>> -> memref<1x128xi32, #tpu.memory_space<vmem>>
          %dma_wait3A_342 = tpu.memref_squeeze %dma_wait3A_341 : memref<1x128xi32, #tpu.memory_space<vmem>> -> memref<128xi32, #tpu.memory_space<vmem>>
          %dma_wait3A_343 = arith.constant 0 : i32
          %dma_wait3A_344 = arith.constant 0 : i32
          %dma_wait3A_345 = tpu.memref_slice %arg6[%dma_wait3A_343, %dma_wait3A_344] : memref<10000x128xf32, #tpu.memory_space<vmem_shared>> -> memref<10000x128xf32, #tpu.memory_space<vmem_shared>>
          tpu.wait_indirect_dma semaphore(%arg26 : memref<!tpu.dma_semaphore, #tpu.memory_space<semaphore_mem>>) src(%arg14 : memref<128x128xf32, #tpu.memory_space<vmem>>) dst(%dma_wait3A_345 : memref<10000x128xf32, #tpu.memory_space<vmem_shared>>)
        } else {
        }
        %dma_wait3A_323 = arith.constant 0 : i32
        %dma_wait3A_324 = arith.constant 0 : i32
        %dma_wait3A_325 = arith.constant 0 : i32
        %dma_wait3A_326 = tpu.memref_slice %arg3[%add3A, %dma_wait3A_323, %dma_wait3A_324, %dma_wait3A_325] : memref<32x84x2x128xi32, #tpu.memory_space<hbm>> -> memref<1x1x2x128xi32, #tpu.memory_space<hbm>>
        %dma_wait3A_327 = tpu.memref_squeeze %dma_wait3A_326 : memref<1x1x2x128xi32, #tpu.memory_space<hbm>> -> memref<2x128xi32, #tpu.memory_space<hbm>>
        %dma_wait3A_328 = arith.constant 0 : i32
        %dma_wait3A_329 = arith.constant 0 : i32
        %dma_wait3A_330 = tpu.memref_slice %arg3[%add3A, %dma_wait3A_323, %dma_wait3A_328, %dma_wait3A_329] : memref<32x84x2x128xi32, #tpu.memory_space<hbm>> -> memref<1x1x2x128xi32, #tpu.memory_space<hbm>>
        %dma_wait3A_331 = tpu.memref_squeeze %dma_wait3A_330 : memref<1x1x2x128xi32, #tpu.memory_space<hbm>> -> memref<2x128xi32, #tpu.memory_space<hbm>>
        tpu.wait_dma2 semaphore(%arg17 : memref<!tpu.dma_semaphore, #tpu.memory_space<semaphore_mem>>) src(%dma_wait3A_331 : memref<2x128xi32, #tpu.memory_space<hbm>>) dst(%arg8 : memref<2x128xi32, #tpu.memory_space<vmem>>)
        %dma_start3A_332 = arith.constant 0 : i32
        %dma_start3A_333 = arith.constant 0 : i32
        %dma_start3A_334 = tpu.memref_slice %arg8[%dma_start3A_332, %dma_start3A_333] : memref<2x128xi32, #tpu.memory_space<vmem>> -> memref<1x128xi32, #tpu.memory_space<vmem>>
        %dma_start3A_335 = tpu.memref_squeeze %dma_start3A_334 : memref<1x128xi32, #tpu.memory_space<vmem>> -> memref<128xi32, #tpu.memory_space<vmem>>
        %dma_start3A_336 = arith.constant 0 : i32
        %dma_start3A_337 = arith.constant 0 : i32
        %dma_start3A_338 = tpu.memref_slice %arg2[%dma_start3A_336, %dma_start3A_337] : memref<10240x128xf32, #tpu.memory_space<hbm>> -> memref<10240x128xf32, #tpu.memory_space<hbm>>
        tpu.enqueue_indirect_dma source(%dma_start3A_338 : memref<10240x128xf32, #tpu.memory_space<hbm>>) target(%arg14 : memref<128x128xf32, #tpu.memory_space<vmem>>) offsets(%dma_start3A_335 : memref<128xi32, #tpu.memory_space<vmem>>) semaphore(%arg23 : memref<!tpu.dma_semaphore, #tpu.memory_space<semaphore_mem>>)
      } else {
      }
      %ge3A_308 = arith.constant 1 : i32
      %ge3A_309 = arith.cmpi sge, %add3A_287, %ge3A_308 : i32
      %add3A_310 = arith.constant 5 : i32
      %add3A_311 = arith.addi %add3A_287, %add3A_310 : i32
      %lt3A_312 = arith.constant 84 : i32
      %lt3A_313 = arith.cmpi slt, %add3A_311, %lt3A_312 : i32
      %and3A_314 = arith.andi %ge3A_309, %lt3A_313 : i1
      %convert_element_type3A_315 = arith.extui %and3A_314 : i1 to i32
      %cond3A_316 = arith.constant 0 : i32
      %cond3A_317 = arith.cmpi ne, %convert_element_type3A_315, %cond3A_316 : i32
      scf.if %cond3A_317 {
        %add3A_318 = arith.constant 5 : i32
        %add3A_319 = arith.addi %add3A_287, %add3A_318 : i32
        %dma_start3A_320 = arith.constant 0 : i32
        %dma_start3A_321 = arith.constant 0 : i32
        %dma_start3A_322 = tpu.memref_slice %arg3[%add3A, %add3A_319, %dma_start3A_320, %dma_start3A_321] : memref<32x84x2x128xi32, #tpu.memory_space<hbm>> -> memref<1x1x2x128xi32, #tpu.memory_space<hbm>>
        %dma_start3A_323 = tpu.memref_squeeze %dma_start3A_322 : memref<1x1x2x128xi32, #tpu.memory_space<hbm>> -> memref<2x128xi32, #tpu.memory_space<hbm>>
        %dma_start3A_324 = arith.constant 0 : i32
        %dma_start3A_325 = arith.constant 0 : i32
        %dma_start3A_326 = tpu.memref_slice %arg3[%add3A, %add3A_319, %dma_start3A_324, %dma_start3A_325] : memref<32x84x2x128xi32, #tpu.memory_space<hbm>> -> memref<1x1x2x128xi32, #tpu.memory_space<hbm>>
        %dma_start3A_327 = tpu.memref_squeeze %dma_start3A_326 : memref<1x1x2x128xi32, #tpu.memory_space<hbm>> -> memref<2x128xi32, #tpu.memory_space<hbm>>
        tpu.enqueue_dma source(%dma_start3A_327 : memref<2x128xi32, #tpu.memory_space<hbm>>) target(%arg11 : memref<2x128xi32, #tpu.memory_space<vmem>>) target_semaphore(%arg20 : memref<!tpu.dma_semaphore, #tpu.memory_space<semaphore_mem>>)
      } else {
      }
    }
    %scan3A_91 = arith.constant 14 : i32
    %dma_wait3A_92 = arith.constant 1 : i32
    %dma_wait3A_93 = arith.constant 0 : i32
    %dma_wait3A_94 = tpu.memref_slice %arg7[%dma_wait3A_92, %dma_wait3A_93] : memref<2x128xi32, #tpu.memory_space<vmem>> -> memref<1x128xi32, #tpu.memory_space<vmem>>
    %dma_wait3A_95 = tpu.memref_squeeze %dma_wait3A_94 : memref<1x128xi32, #tpu.memory_space<vmem>> -> memref<128xi32, #tpu.memory_space<vmem>>
    %dma_wait3A_96 = arith.constant 0 : i32
    %dma_wait3A_97 = arith.constant 0 : i32
    %dma_wait3A_98 = tpu.memref_slice %arg6[%dma_wait3A_96, %dma_wait3A_97] : memref<10000x128xf32, #tpu.memory_space<vmem_shared>> -> memref<10000x128xf32, #tpu.memory_space<vmem_shared>>
    tpu.wait_indirect_dma semaphore(%arg25 : memref<!tpu.dma_semaphore, #tpu.memory_space<semaphore_mem>>) src(%arg13 : memref<128x128xf32, #tpu.memory_space<vmem>>) dst(%dma_wait3A_98 : memref<10000x128xf32, #tpu.memory_space<vmem_shared>>)
    %dma_wait3A_99 = arith.constant 1 : i32
    %dma_wait3A_100 = arith.constant 0 : i32
    %dma_wait3A_101 = tpu.memref_slice %arg7[%dma_wait3A_99, %dma_wait3A_100] : memref<2x128xi32, #tpu.memory_space<vmem>> -> memref<1x128xi32, #tpu.memory_space<vmem>>
    %dma_wait3A_102 = tpu.memref_squeeze %dma_wait3A_101 : memref<1x128xi32, #tpu.memory_space<vmem>> -> memref<128xi32, #tpu.memory_space<vmem>>
    %dma_wait3A_103 = arith.constant 0 : i32
    %dma_wait3A_104 = arith.constant 0 : i32
    %dma_wait3A_105 = tpu.memref_slice %arg6[%dma_wait3A_103, %dma_wait3A_104] : memref<10000x128xf32, #tpu.memory_space<vmem_shared>> -> memref<10000x128xf32, #tpu.memory_space<vmem_shared>>
    tpu.wait_indirect_dma semaphore(%arg26 : memref<!tpu.dma_semaphore, #tpu.memory_space<semaphore_mem>>) src(%arg14 : memref<128x128xf32, #tpu.memory_space<vmem>>) dst(%dma_wait3A_105 : memref<10000x128xf32, #tpu.memory_space<vmem_shared>>)
    %dma_wait3A_106 = arith.constant 1 : i32
    %dma_wait3A_107 = arith.constant 0 : i32
    %dma_wait3A_108 = tpu.memref_slice %arg7[%dma_wait3A_106, %dma_wait3A_107] : memref<2x128xi32, #tpu.memory_space<vmem>> -> memref<1x128xi32, #tpu.memory_space<vmem>>
    %dma_wait3A_109 = tpu.memref_squeeze %dma_wait3A_108 : memref<1x128xi32, #tpu.memory_space<vmem>> -> memref<128xi32, #tpu.memory_space<vmem>>
    %dma_wait3A_110 = arith.constant 0 : i32
    %dma_wait3A_111 = arith.constant 0 : i32
    %dma_wait3A_112 = tpu.memref_slice %arg6[%dma_wait3A_110, %dma_wait3A_111] : memref<10000x128xf32, #tpu.memory_space<vmem_shared>> -> memref<10000x128xf32, #tpu.memory_space<vmem_shared>>
    tpu.wait_indirect_dma semaphore(%arg27 : memref<!tpu.dma_semaphore, #tpu.memory_space<semaphore_mem>>) src(%arg15 : memref<128x128xf32, #tpu.memory_space<vmem>>) dst(%dma_wait3A_112 : memref<10000x128xf32, #tpu.memory_space<vmem_shared>>)
    %barrier3A_113 = arith.constant 0 : index
    tpu.barrier barrier_id(%barrier3A_113)
    %mul3A_114 = arith.constant 624 : i32
    %mul3A_115 = arith.muli %arg1, %mul3A_114 : i32
    %mul3A_116 = arith.constant 624 : i32
    %mul3A_117 = arith.muli %arg1, %mul3A_116 : i32
    "tpu.region"() ({
      %run_scoped3A = tpu.sem_alloc : memref<!tpu.dma_semaphore, #tpu.memory_space<semaphore_mem>>
      %dma_start3A_118 = arith.constant 0 : i32
      %dma_start3A_119 = tpu.memref_slice %arg5[%arg0, %mul3A_117, %dma_start3A_118] : memref<2x10240x128xf32, #tpu.memory_space<hbm>> -> memref<1x640x128xf32, #tpu.memory_space<hbm>>
      %dma_start3A_120 = tpu.memref_squeeze %dma_start3A_119 : memref<1x640x128xf32, #tpu.memory_space<hbm>> -> memref<640x128xf32, #tpu.memory_space<hbm>>
      %dma_start3A_121 = arith.constant 0 : i32
      %dma_start3A_122 = tpu.memref_slice %arg6[%mul3A_115, %dma_start3A_121] : memref<10000x128xf32, #tpu.memory_space<vmem_shared>> -> memref<640x128xf32, #tpu.memory_space<vmem_shared>>
      tpu.enqueue_dma source(%dma_start3A_122 : memref<640x128xf32, #tpu.memory_space<vmem_shared>>) target(%dma_start3A_120 : memref<640x128xf32, #tpu.memory_space<hbm>>) target_semaphore(%run_scoped3A : memref<!tpu.dma_semaphore, #tpu.memory_space<semaphore_mem>>)
      %dma_wait3A_123 = arith.constant 0 : i32
      %dma_wait3A_124 = tpu.memref_slice %arg5[%arg0, %mul3A_117, %dma_wait3A_123] : memref<2x10240x128xf32, #tpu.memory_space<hbm>> -> memref<1x640x128xf32, #tpu.memory_space<hbm>>
      %dma_wait3A_125 = tpu.memref_squeeze %dma_wait3A_124 : memref<1x640x128xf32, #tpu.memory_space<hbm>> -> memref<640x128xf32, #tpu.memory_space<hbm>>
      %dma_wait3A_126 = arith.constant 0 : i32
      %dma_wait3A_127 = tpu.memref_slice %arg6[%mul3A_115, %dma_wait3A_126] : memref<10000x128xf32, #tpu.memory_space<vmem_shared>> -> memref<640x128xf32, #tpu.memory_space<vmem_shared>>
      tpu.wait_dma2 semaphore(%run_scoped3A : memref<!tpu.dma_semaphore, #tpu.memory_space<semaphore_mem>>) src(%dma_wait3A_127 : memref<640x128xf32, #tpu.memory_space<vmem_shared>>) dst(%dma_wait3A_125 : memref<640x128xf32, #tpu.memory_space<hbm>>)
      tpu.yield
    }) : () -> ()
    return
  }
}

#map = affine_map<(d0, d1) -> (0, 0, 0)>
#map1 = affine_map<(d0, d1) -> (0)>
#map2 = affine_map<(d0, d1) -> (0, 0)>
module attributes {stable_mosaic.version = 14 : i64} {
  func.func @_deg_body(%arg0: i32, %arg1: i32, %arg2: memref<32x84x128xi32, #tpu.memory_space<hbm>>, %arg3: memref<20480xf32, #tpu.memory_space<hbm>>, %arg4: memref<32x20480xf32, #tpu.memory_space<hbm>>, %arg5: memref<84x128xi32, #tpu.memory_space<vmem>>, %arg6: memref<20480xf32, #tpu.memory_space<vmem>>) attributes {dimension_semantics = [#tpu.dimension_semantics<core_parallel>, #tpu.dimension_semantics<subcore_parallel>], iteration_bounds = array<i64: 2, 16>, scalar_prefetch = 0 : i64, scratch_operands = 2 : i64, tpu.core_type = #tpu.core_type<sc_vector_subcore>, window_params = [{transform_indices = #map}, {transform_indices = #map1}, {transform_indices = #map2}]} {
    %mul3A = arith.constant 16 : i32
    %mul3A_0 = arith.muli %arg0, %mul3A : i32
    %add3A = arith.addi %mul3A_0, %arg1 : i32
    "tpu.region"() ({
      %run_scoped3A = tpu.sem_alloc : memref<!tpu.dma_semaphore, #tpu.memory_space<semaphore_mem>>
      tpu.enqueue_dma source(%arg3 : memref<20480xf32, #tpu.memory_space<hbm>>) target(%arg6 : memref<20480xf32, #tpu.memory_space<vmem>>) target_semaphore(%run_scoped3A : memref<!tpu.dma_semaphore, #tpu.memory_space<semaphore_mem>>)
      tpu.wait_dma2 semaphore(%run_scoped3A : memref<!tpu.dma_semaphore, #tpu.memory_space<semaphore_mem>>) src(%arg3 : memref<20480xf32, #tpu.memory_space<hbm>>) dst(%arg6 : memref<20480xf32, #tpu.memory_space<vmem>>)
      tpu.yield
    }) : () -> ()
    "tpu.region"() ({
      %run_scoped3A = tpu.sem_alloc : memref<!tpu.dma_semaphore, #tpu.memory_space<semaphore_mem>>
      %dma_start3A = arith.constant 0 : i32
      %dma_start3A_9 = arith.constant 0 : i32
      %dma_start3A_10 = tpu.memref_slice %arg2[%add3A, %dma_start3A, %dma_start3A_9] : memref<32x84x128xi32, #tpu.memory_space<hbm>> -> memref<1x84x128xi32, #tpu.memory_space<hbm>>
      %dma_start3A_11 = tpu.memref_squeeze %dma_start3A_10 : memref<1x84x128xi32, #tpu.memory_space<hbm>> -> memref<84x128xi32, #tpu.memory_space<hbm>>
      %dma_start3A_12 = arith.constant 0 : i32
      %dma_start3A_13 = arith.constant 0 : i32
      %dma_start3A_14 = tpu.memref_slice %arg2[%add3A, %dma_start3A_12, %dma_start3A_13] : memref<32x84x128xi32, #tpu.memory_space<hbm>> -> memref<1x84x128xi32, #tpu.memory_space<hbm>>
      %dma_start3A_15 = tpu.memref_squeeze %dma_start3A_14 : memref<1x84x128xi32, #tpu.memory_space<hbm>> -> memref<84x128xi32, #tpu.memory_space<hbm>>
      tpu.enqueue_dma source(%dma_start3A_15 : memref<84x128xi32, #tpu.memory_space<hbm>>) target(%arg5 : memref<84x128xi32, #tpu.memory_space<vmem>>) target_semaphore(%run_scoped3A : memref<!tpu.dma_semaphore, #tpu.memory_space<semaphore_mem>>)
      %dma_wait3A = arith.constant 0 : i32
      %dma_wait3A_16 = arith.constant 0 : i32
      %dma_wait3A_17 = tpu.memref_slice %arg2[%add3A, %dma_wait3A, %dma_wait3A_16] : memref<32x84x128xi32, #tpu.memory_space<hbm>> -> memref<1x84x128xi32, #tpu.memory_space<hbm>>
      %dma_wait3A_18 = tpu.memref_squeeze %dma_wait3A_17 : memref<1x84x128xi32, #tpu.memory_space<hbm>> -> memref<84x128xi32, #tpu.memory_space<hbm>>
      %dma_wait3A_19 = arith.constant 0 : i32
      %dma_wait3A_20 = arith.constant 0 : i32
      %dma_wait3A_21 = tpu.memref_slice %arg2[%add3A, %dma_wait3A_19, %dma_wait3A_20] : memref<32x84x128xi32, #tpu.memory_space<hbm>> -> memref<1x84x128xi32, #tpu.memory_space<hbm>>
      %dma_wait3A_22 = tpu.memref_squeeze %dma_wait3A_21 : memref<1x84x128xi32, #tpu.memory_space<hbm>> -> memref<84x128xi32, #tpu.memory_space<hbm>>
      tpu.wait_dma2 semaphore(%run_scoped3A : memref<!tpu.dma_semaphore, #tpu.memory_space<semaphore_mem>>) src(%dma_wait3A_22 : memref<84x128xi32, #tpu.memory_space<hbm>>) dst(%arg5 : memref<84x128xi32, #tpu.memory_space<vmem>>)
      tpu.yield
    }) : () -> ()
    %broadcast_in_dim3A = arith.constant 1.000000e+00 : f32
    %broadcast_in_dim3A_1 = vector.broadcast %broadcast_in_dim3A : f32 to vector<16xf32>
    %broadcast_in_dim3A_2 = arith.constant 10240 : i32
    %broadcast_in_dim3A_3 = vector.broadcast %broadcast_in_dim3A_2 : i32 to vector<16xi32>
    %scan3A = arith.constant 0 : i32
    %scan3A_4 = arith.constant 0 : i32
    %scan3A_5 = arith.constant 84 : i32
    %scan3A_6 = arith.addi %scan3A_4, %scan3A_5 : i32
    %scan3A_7 = arith.constant 1 : i32
    scf.for %scan3A_9 = %scan3A_4 to %scan3A_6 step %scan3A_7  : i32 {
      %get3A = arith.index_cast %scan3A_9 : i32 to index
      %get3A_10 = arith.constant 0 : index
      %get3A_11 = tpu.vector_load %arg5[%get3A, %get3A_10] {strides = array<i32>} : memref<84x128xi32, #tpu.memory_space<vmem>>, vector<16xi32>,
      tpu.vector_store_idx %arg6[%get3A_11], %broadcast_in_dim3A_1 {add = true} : memref<20480xf32, #tpu.memory_space<vmem>>[vector<16xi32>], vector<16xf32>,
      %get3A_12 = arith.index_cast %scan3A_9 : i32 to index
      %get3A_13 = arith.constant 16 : index
      %get3A_14 = tpu.vector_load %arg5[%get3A_12, %get3A_13] {strides = array<i32>} : memref<84x128xi32, #tpu.memory_space<vmem>>, vector<16xi32>,
      %add3A_15 = arith.addi %get3A_14, %broadcast_in_dim3A_3 : vector<16xi32>
      tpu.vector_store_idx %arg6[%add3A_15], %broadcast_in_dim3A_1 {add = true} : memref<20480xf32, #tpu.memory_space<vmem>>[vector<16xi32>], vector<16xf32>,
      %get3A_16 = arith.index_cast %scan3A_9 : i32 to index
      %get3A_17 = arith.constant 32 : index
      %get3A_18 = tpu.vector_load %arg5[%get3A_16, %get3A_17] {strides = array<i32>} : memref<84x128xi32, #tpu.memory_space<vmem>>, vector<16xi32>,
      tpu.vector_store_idx %arg6[%get3A_18], %broadcast_in_dim3A_1 {add = true} : memref<20480xf32, #tpu.memory_space<vmem>>[vector<16xi32>], vector<16xf32>,
      %get3A_19 = arith.index_cast %scan3A_9 : i32 to index
      %get3A_20 = arith.constant 48 : index
      %get3A_21 = tpu.vector_load %arg5[%get3A_19, %get3A_20] {strides = array<i32>} : memref<84x128xi32, #tpu.memory_space<vmem>>, vector<16xi32>,
      %add3A_22 = arith.addi %get3A_21, %broadcast_in_dim3A_3 : vector<16xi32>
      tpu.vector_store_idx %arg6[%add3A_22], %broadcast_in_dim3A_1 {add = true} : memref<20480xf32, #tpu.memory_space<vmem>>[vector<16xi32>], vector<16xf32>,
      %get3A_23 = arith.index_cast %scan3A_9 : i32 to index
      %get3A_24 = arith.constant 64 : index
      %get3A_25 = tpu.vector_load %arg5[%get3A_23, %get3A_24] {strides = array<i32>} : memref<84x128xi32, #tpu.memory_space<vmem>>, vector<16xi32>,
      tpu.vector_store_idx %arg6[%get3A_25], %broadcast_in_dim3A_1 {add = true} : memref<20480xf32, #tpu.memory_space<vmem>>[vector<16xi32>], vector<16xf32>,
      %get3A_26 = arith.index_cast %scan3A_9 : i32 to index
      %get3A_27 = arith.constant 80 : index
      %get3A_28 = tpu.vector_load %arg5[%get3A_26, %get3A_27] {strides = array<i32>} : memref<84x128xi32, #tpu.memory_space<vmem>>, vector<16xi32>,
      %add3A_29 = arith.addi %get3A_28, %broadcast_in_dim3A_3 : vector<16xi32>
      tpu.vector_store_idx %arg6[%add3A_29], %broadcast_in_dim3A_1 {add = true} : memref<20480xf32, #tpu.memory_space<vmem>>[vector<16xi32>], vector<16xf32>,
      %get3A_30 = arith.index_cast %scan3A_9 : i32 to index
      %get3A_31 = arith.constant 96 : index
      %get3A_32 = tpu.vector_load %arg5[%get3A_30, %get3A_31] {strides = array<i32>} : memref<84x128xi32, #tpu.memory_space<vmem>>, vector<16xi32>,
      tpu.vector_store_idx %arg6[%get3A_32], %broadcast_in_dim3A_1 {add = true} : memref<20480xf32, #tpu.memory_space<vmem>>[vector<16xi32>], vector<16xf32>,
      %get3A_33 = arith.index_cast %scan3A_9 : i32 to index
      %get3A_34 = arith.constant 112 : index
      %get3A_35 = tpu.vector_load %arg5[%get3A_33, %get3A_34] {strides = array<i32>} : memref<84x128xi32, #tpu.memory_space<vmem>>, vector<16xi32>,
      %add3A_36 = arith.addi %get3A_35, %broadcast_in_dim3A_3 : vector<16xi32>
      tpu.vector_store_idx %arg6[%add3A_36], %broadcast_in_dim3A_1 {add = true} : memref<20480xf32, #tpu.memory_space<vmem>>[vector<16xi32>], vector<16xf32>,
    }
    %scan3A_8 = arith.constant 84 : i32
    "tpu.region"() ({
      %run_scoped3A = tpu.sem_alloc : memref<!tpu.dma_semaphore, #tpu.memory_space<semaphore_mem>>
      %dma_start3A = arith.constant 0 : i32
      %dma_start3A_9 = tpu.memref_slice %arg4[%add3A, %dma_start3A] : memref<32x20480xf32, #tpu.memory_space<hbm>> -> memref<1x20480xf32, #tpu.memory_space<hbm>>
      %dma_start3A_10 = tpu.memref_squeeze %dma_start3A_9 : memref<1x20480xf32, #tpu.memory_space<hbm>> -> memref<20480xf32, #tpu.memory_space<hbm>>
      %dma_start3A_11 = arith.constant 0 : i32
      %dma_start3A_12 = tpu.memref_slice %arg4[%add3A, %dma_start3A_11] : memref<32x20480xf32, #tpu.memory_space<hbm>> -> memref<1x20480xf32, #tpu.memory_space<hbm>>
      %dma_start3A_13 = tpu.memref_squeeze %dma_start3A_12 : memref<1x20480xf32, #tpu.memory_space<hbm>> -> memref<20480xf32, #tpu.memory_space<hbm>>
      tpu.enqueue_dma source(%arg6 : memref<20480xf32, #tpu.memory_space<vmem>>) target(%dma_start3A_13 : memref<20480xf32, #tpu.memory_space<hbm>>) target_semaphore(%run_scoped3A : memref<!tpu.dma_semaphore, #tpu.memory_space<semaphore_mem>>)
      %dma_wait3A = arith.constant 0 : i32
      %dma_wait3A_14 = tpu.memref_slice %arg4[%add3A, %dma_wait3A] : memref<32x20480xf32, #tpu.memory_space<hbm>> -> memref<1x20480xf32, #tpu.memory_space<hbm>>
      %dma_wait3A_15 = tpu.memref_squeeze %dma_wait3A_14 : memref<1x20480xf32, #tpu.memory_space<hbm>> -> memref<20480xf32, #tpu.memory_space<hbm>>
      %dma_wait3A_16 = arith.constant 0 : i32
      %dma_wait3A_17 = tpu.memref_slice %arg4[%add3A, %dma_wait3A_16] : memref<32x20480xf32, #tpu.memory_space<hbm>> -> memref<1x20480xf32, #tpu.memory_space<hbm>>
      %dma_wait3A_18 = tpu.memref_squeeze %dma_wait3A_17 : memref<1x20480xf32, #tpu.memory_space<hbm>> -> memref<20480xf32, #tpu.memory_space<hbm>>
      tpu.wait_dma2 semaphore(%run_scoped3A : memref<!tpu.dma_semaphore, #tpu.memory_space<semaphore_mem>>) src(%arg6 : memref<20480xf32, #tpu.memory_space<vmem>>) dst(%dma_wait3A_18 : memref<20480xf32, #tpu.memory_space<hbm>>)
      tpu.yield
    }) : () -> ()
    return
  }
}

module attributes {stable_mosaic.version = 14 : i64} {
  func.func @_mm_body(%arg0: i32, %arg1: memref<1024x128xf32, #tpu.memory_space<vmem>>, %arg2: memref<128x128xf32, #tpu.memory_space<vmem>>, %arg3: memref<64x1024xf32, #tpu.memory_space<vmem>>, %arg4: memref<1024x128xf32, #tpu.memory_space<vmem>>) attributes {dimension_semantics = [#tpu.dimension_semantics<arbitrary>], iteration_bounds = array<i64: 10>, scalar_prefetch = 0 : i64, scratch_operands = 0 : i64, tpu.core_type = #tpu.core_type<tc>, window_params = [{transform_indices = @transform_0, window_bounds = array<i64: 1024, 128>}, {pipeline_mode = #tpu.pipeline_mode<synchronous>, transform_indices = @transform_1, window_bounds = array<i64: 128, 128>}, {transform_indices = @transform_2, window_bounds = array<i64: 64, 1024>}, {transform_indices = @transform_3, window_bounds = array<i64: 1024, 128>}]} {
    %get3A = arith.constant 0 : index
    %get3A_0 = arith.constant 0 : index
    %get3A_1 = vector.load %arg3[%get3A, %get3A_0] : memref<64x1024xf32, #tpu.memory_space<vmem>>, vector<64x1024xf32>
    %broadcast_in_dim3A = arith.constant 1.000000e+00 : f32
    %broadcast_in_dim3A_2 = vector.broadcast %broadcast_in_dim3A : f32 to vector<64x1xf32>
    %dot_general3A = arith.constant dense<0.000000e+00> : vector<1024x1xf32>
    %dot_general3A_3 = tpu.matmul %get3A_1, %broadcast_in_dim3A_2, %dot_general3A {dimension_numbers = #tpu.dot_dimension_numbers<[0], [0], [1], [1], [0, 1, 1, 1], [], []>, transpose_lhs_hint = false} : vector<64x1024xf32>, vector<64x1xf32>, vector<1024x1xf32> -> vector<1024x1xf32>
    %add3A = arith.constant 1.000000e+00 : f32
    %add3A_4 = vector.broadcast %add3A : f32 to vector<1024x1xf32>
    %add3A_5 = arith.addf %dot_general3A_3, %add3A_4 : vector<1024x1xf32>
    %rsqrt3A = math.rsqrt %add3A_5 : vector<1024x1xf32>
    %get3A_6 = arith.constant 0 : index
    %get3A_7 = arith.constant 0 : index
    %get3A_8 = vector.load %arg1[%get3A_6, %get3A_7] : memref<1024x128xf32, #tpu.memory_space<vmem>>, vector<1024x128xf32>
    %get3A_9 = arith.constant 0 : index
    %get3A_10 = arith.constant 0 : index
    %get3A_11 = vector.load %arg2[%get3A_9, %get3A_10] : memref<128x128xf32, #tpu.memory_space<vmem>>, vector<128x128xf32>
    %dot_general3A_12 = arith.constant dense<0.000000e+00> : vector<1024x128xf32>
    %dot_general3A_13 = tpu.matmul %get3A_8, %get3A_11, %dot_general3A_12 {dimension_numbers = #tpu.dot_dimension_numbers<[1], [0], [0], [1], [0, 0, 1, 1], [], []>, transpose_lhs_hint = false} : vector<1024x128xf32>, vector<128x128xf32>, vector<1024x128xf32> -> vector<1024x128xf32>
    %mul3A = vector.broadcast %rsqrt3A : vector<1024x1xf32> to vector<1024x128xf32>
    %mul3A_14 = arith.mulf %dot_general3A_13, %mul3A : vector<1024x128xf32>
    %swap3A = arith.constant 0 : index
    %swap3A_15 = arith.constant 0 : index
    %swap3A_16 = vector.load %arg4[%swap3A, %swap3A_15] : memref<1024x128xf32, #tpu.memory_space<vmem>>, vector<1024x128xf32>
    tpu.vector_store %arg4[%swap3A, %swap3A_15], %mul3A_14 {strides = array<i32>} : memref<1024x128xf32, #tpu.memory_space<vmem>>, vector<1024x128xf32>,
    return
  }
  func.func @transform_0(%arg0: i32) -> (i32, i32) {
    %c0_i32 = arith.constant 0 : i32
    %c0_i32_0 = arith.constant 0 : i32
    return %arg0, %c0_i32 : i32, i32
  }
  func.func @transform_1(%arg0: i32) -> (i32, i32) {
    %c0_i32 = arith.constant 0 : i32
    %c0_i32_0 = arith.constant 0 : i32
    %c0_i32_1 = arith.constant 0 : i32
    return %c0_i32, %c0_i32_0 : i32, i32
  }
  func.func @transform_2(%arg0: i32) -> (i32, i32) {
    %c0_i32 = arith.constant 0 : i32
    %c0_i32_0 = arith.constant 0 : i32
    return %c0_i32, %arg0 : i32, i32
  }
  func.func @transform_3(%arg0: i32) -> (i32, i32) {
    %c0_i32 = arith.constant 0 : i32
    %c0_i32_0 = arith.constant 0 : i32
    return %arg0, %c0_i32 : i32, i32
  }
}

module attributes {stable_mosaic.version = 14 : i64} {
  func.func @_ep_body(%arg0: i32, %arg1: memref<2x1024x128xf32, #tpu.memory_space<vmem>>, %arg2: memref<1024x128xf32, #tpu.memory_space<vmem>>, %arg3: memref<64x1024xf32, #tpu.memory_space<vmem>>, %arg4: memref<1x128xf32, #tpu.memory_space<vmem>>, %arg5: memref<1024x128xf32, #tpu.memory_space<vmem>>) attributes {dimension_semantics = [#tpu.dimension_semantics<arbitrary>], iteration_bounds = array<i64: 10>, scalar_prefetch = 0 : i64, scratch_operands = 0 : i64, tpu.core_type = #tpu.core_type<tc>, window_params = [{transform_indices = @transform_0, window_bounds = array<i64: 2, 1024, 128>}, {transform_indices = @transform_1, window_bounds = array<i64: 1024, 128>}, {transform_indices = @transform_2, window_bounds = array<i64: 64, 1024>}, {pipeline_mode = #tpu.pipeline_mode<synchronous>, transform_indices = @transform_3, window_bounds = array<i64: 1, 128>}, {transform_indices = @transform_4, window_bounds = array<i64: 1024, 128>}]} {
    %get3A = arith.constant 0 : index
    %get3A_0 = arith.constant 0 : index
    %get3A_1 = vector.load %arg3[%get3A, %get3A_0] : memref<64x1024xf32, #tpu.memory_space<vmem>>, vector<64x1024xf32>
    %broadcast_in_dim3A = arith.constant 1.000000e+00 : f32
    %broadcast_in_dim3A_2 = vector.broadcast %broadcast_in_dim3A : f32 to vector<64x1xf32>
    %dot_general3A = arith.constant dense<0.000000e+00> : vector<1024x1xf32>
    %dot_general3A_3 = tpu.matmul %get3A_1, %broadcast_in_dim3A_2, %dot_general3A {dimension_numbers = #tpu.dot_dimension_numbers<[0], [0], [1], [1], [0, 1, 1, 1], [], []>, transpose_lhs_hint = false} : vector<64x1024xf32>, vector<64x1xf32>, vector<1024x1xf32> -> vector<1024x1xf32>
    %add3A = arith.constant 1.000000e+00 : f32
    %add3A_4 = vector.broadcast %add3A : f32 to vector<1024x1xf32>
    %add3A_5 = arith.addf %dot_general3A_3, %add3A_4 : vector<1024x1xf32>
    %rsqrt3A = math.rsqrt %add3A_5 : vector<1024x1xf32>
    %get3A_6 = arith.constant 0 : index
    %get3A_7 = arith.constant 0 : index
    %get3A_8 = arith.constant 0 : index
    %get3A_9 = vector.load %arg1[%get3A_6, %get3A_7, %get3A_8] : memref<2x1024x128xf32, #tpu.memory_space<vmem>>, vector<1x1024x128xf32>
    %get3A_10 = vector.shape_cast %get3A_9 : vector<1x1024x128xf32> to vector<1024x128xf32>
    %get3A_11 = arith.constant 1 : index
    %get3A_12 = arith.constant 0 : index
    %get3A_13 = arith.constant 0 : index
    %get3A_14 = vector.load %arg1[%get3A_11, %get3A_12, %get3A_13] : memref<2x1024x128xf32, #tpu.memory_space<vmem>>, vector<1x1024x128xf32>
    %get3A_15 = vector.shape_cast %get3A_14 : vector<1x1024x128xf32> to vector<1024x128xf32>
    %add3A_16 = arith.addf %get3A_10, %get3A_15 : vector<1024x128xf32>
    %get3A_17 = arith.constant 0 : index
    %get3A_18 = arith.constant 0 : index
    %get3A_19 = vector.load %arg2[%get3A_17, %get3A_18] : memref<1024x128xf32, #tpu.memory_space<vmem>>, vector<1024x128xf32>
    %add3A_20 = arith.addf %add3A_16, %get3A_19 : vector<1024x128xf32>
    %mul3A = vector.broadcast %rsqrt3A : vector<1024x1xf32> to vector<1024x128xf32>
    %mul3A_21 = arith.mulf %add3A_20, %mul3A : vector<1024x128xf32>
    %get3A_22 = arith.constant 0 : index
    %get3A_23 = arith.constant 0 : index
    %get3A_24 = vector.load %arg4[%get3A_22, %get3A_23] : memref<1x128xf32, #tpu.memory_space<vmem>>, vector<1x128xf32>
    %add3A_25 = vector.broadcast %get3A_24 : vector<1x128xf32> to vector<1024x128xf32>
    %add3A_26 = arith.addf %mul3A_21, %add3A_25 : vector<1024x128xf32>
    %max3A = arith.constant 0.000000e+00 : f32
    %max3A_27 = vector.broadcast %max3A : f32 to vector<1024x128xf32>
    %max3A_28 = arith.maximumf %add3A_26, %max3A_27 : vector<1024x128xf32>
    %swap3A = arith.constant 0 : index
    %swap3A_29 = arith.constant 0 : index
    %swap3A_30 = vector.load %arg5[%swap3A, %swap3A_29] : memref<1024x128xf32, #tpu.memory_space<vmem>>, vector<1024x128xf32>
    tpu.vector_store %arg5[%swap3A, %swap3A_29], %max3A_28 {strides = array<i32>} : memref<1024x128xf32, #tpu.memory_space<vmem>>, vector<1024x128xf32>,
    return
  }
  func.func @transform_0(%arg0: i32) -> (i32, i32, i32) {
    %c0_i32 = arith.constant 0 : i32
    %c0_i32_0 = arith.constant 0 : i32
    %c0_i32_1 = arith.constant 0 : i32
    return %c0_i32, %arg0, %c0_i32_0 : i32, i32, i32
  }
  func.func @transform_1(%arg0: i32) -> (i32, i32) {
    %c0_i32 = arith.constant 0 : i32
    %c0_i32_0 = arith.constant 0 : i32
    return %arg0, %c0_i32 : i32, i32
  }
  func.func @transform_2(%arg0: i32) -> (i32, i32) {
    %c0_i32 = arith.constant 0 : i32
    %c0_i32_0 = arith.constant 0 : i32
    return %c0_i32, %arg0 : i32, i32
  }
  func.func @transform_3(%arg0: i32) -> (i32, i32) {
    %c0_i32 = arith.constant 0 : i32
    %c0_i32_0 = arith.constant 0 : i32
    %c0_i32_1 = arith.constant 0 : i32
    return %c0_i32, %c0_i32_0 : i32, i32
  }
  func.func @transform_4(%arg0: i32) -> (i32, i32) {
    %c0_i32 = arith.constant 0 : i32
    %c0_i32_0 = arith.constant 0 : i32
    return %arg0, %c0_i32 : i32, i32
  }
}

</mosaic_0001>

<sc_bundles>
// kernel: kernel.6.cloned.1.call-start
scs
__scs_entry_jumppad:
0x0: {  	(pc) =	sbr.rel $0x88, $3  }
0x1: {  	(tag) =	ssettag $0x0;
	lr =	simm.s32 $0x1  }
0x2: {  	[smem:$0x3F9D] =	sst lr;
	_ =	strace $0xD0000000  }
0x3: {  	_ = 	snop  }
0x4: {  	_ = 	snop  }
0x5: {  	_ = 	snop  }
0x6: {  	_ = 	snop  }
0x7: {  	_ = 	snop  }
__scs_overlays_trampoline_lowered:
0x8: {  	[smem:$0x3FAC] =	sst s0  }
0x9: {  	[smem:$0x3FAD] =	sst s1  }
0xa: {  	[smem:$0x3FAE] =	sst s2  }
0xb: {  	[smem:$0x3FAF] =	sst s3  }
0xc: {  	[smem:$0x3FB0] =	sst s4  }
0xd: {  	[smem:$0x3FB1] =	sst s5  }
0xe: {  	[smem:$0x3FB2] =	sst s6  }
0xf: {  	[smem:$0x3FB3] =	sst s7  }
0x10: {  	[smem:$0x3FB4] =	sst s8  }
0x11: {  	[smem:$0x3FB5] =	sst s9;
	s0 =	simm.s32 @!p0 $0x0  }
0x12: {  	s1 =	sld [smem:$0x3F9B];
	s0 =	simm.s32 @p0 $0x1  }
0x13: {  	[smem:$0x3FB6] =	sst s0;
	s0 =	simm.s32 @!p1 $0x0  }
0x14: {  	s2 =	sld [smem:$0x3F9A];
	s0 =	simm.s32 @p1 $0x1  }
0x15: {  	[smem:$0x3FB7] =	sst s0;
	s0 =	simm.s32 @!p2 $0x0  }
0x16: {  	s3 =	sld [smem:$0x3FDB];
	s0 =	simm.s32 @p2 $0x1  }
0x17: {  	s4 =	simm.s32 $0x1BF5;
	[smem:$0x3FB9] =	sst s0  }
0x18: {  	s0 =	sld [smem:$0x3F9C];
	_ =	swait.ge [sflag:s4], $0x0  }
0x19: {  	s7 =	sld [smem:$0x3F9D]  }
0x1a: {  	s8 =	sadd.s32 $0xFFFFE003, lr  }
0x1b: {  	s9 =	sadd.s32 $0xFFFFFEF7, lr;
	s5 =	simm.s32 $0xFFFFFFFF;
	p2 =	slt.u32 s8, $0xFFFFF086  }
0x1c: {  	p1 =	slt.u32 s9, $0xF7A;
	s5 =	simm.s32 @!p2 $0x0  }
0x1d: {  	s5 =	simm.s32 @p1 $0x1;
	p0 =	seq.s32 s7, s2  }
0x1e: {  	s7 =	smul.u32 @!p0 $0xF7A, s2;
	p2 =	seq.s32 @!p0 s5, $0x0  }
0x1f: {  	s9 =	smul.u32 $0xF7A, s1;
	s8 =	simm.s32 @!p0 $0x1BF5;
	p2 =	por !p2, p0  }
0x20: {  	[sflag:s8] =	ssyncset.s32 @!p0 $0xFFFFF086;
	s6 =	sadd.s32 @!p0 s3, s7;
	s7 =	simm.s32 @!p0 $0x108  }
0x21: {  	s3 =	sadd.s32 s3, s9;
	s6 =	sadd.s32 @!p0 $0x88, s6;
	s7 =	simm.s32 @p2 $0x1082  }
0x22: {  	[simem:s7], [sflag:s8] =	dma.local @!p0 [hbm:s6], $0xF7A  }
0x23: {  	s9 =	sor.u32 $0xD0000000, s2;
	s6 =	simm.s32 $0x108;
	_ =	swait.ge @!p0 [sflag:s8], $0x0  }
0x24: {  	s3 =	sadd.s32 $0x88, s3;
	s6 =	simm.s32 @!p1 $0x1082;
	[sflag:s4] =	ssyncset.s32 $0xFFFFF086  }
0x25: {  	[simem:s6], [sflag:s4] =	dma.local [hbm:s3], $0xF7A  }
0x26: {  	[smem:$0x3F9D] =	sst s1;
	(tag) =	ssettag s2;
	_ =	strace s9  }
0x27: {  	s1 =	sld [smem:$0x3FAD]  }
0x28: {  	s2 =	sld [smem:$0x3FAE]  }
0x29: {  	s4 =	sld [smem:$0x3FB0]  }
0x2a: {  	p0 =	seq.s32 s5, $0x0;
	s5 =	sld [smem:$0x3FB1]  }
0x2b: {  	s6 =	sld [smem:$0x3FB2]  }
0x2c: {  	s7 =	sld [smem:$0x3FB3]  }
0x2d: {  	s3 =	simm.s32 $0x108;
	s8 =	sld [smem:$0x3FB4]  }
0x2e: {  	s3 =	simm.s32 @!p0 $0x1082;
	s9 =	sld [smem:$0x3FB5]  }
0x2f: {  	lr =	sadd.s32 s0, s3;
	s0 =	sld [smem:$0x3FAC]  }
0x30: {  	s3 =	sld [smem:$0x3FAF]  }
0x31: {  	[smem:$0x3FB8] =	sst s10  }
0x32: {  	s10 =	sld [smem:$0x3FB6];
	_ =	sdelay $0x3  }
0x33: {  	p0 =	seq.s32 s10, $0x1;
	s10 =	sld [smem:$0x3FB8];
	_ =	sdelay $0x3  }
0x34: {  	[smem:$0x3FB8] =	sst s10  }
0x35: {  	s10 =	sld [smem:$0x3FB7];
	_ =	sdelay $0x3  }
0x36: {  	p1 =	seq.s32 s10, $0x1;
	s10 =	sld [smem:$0x3FB8];
	_ =	sdelay $0x3  }
0x37: {  	[smem:$0x3FB8] =	sst s10  }
0x38: {  	s10 =	sld [smem:$0x3FB9]  }
0x39: {  	_ = 	snop;
	(pc) =	sbr.ind lr, $3  }
0x3a: {  	_ = 	snop  }
0x3b: {  	_ = 	snop  }
0x3c: {  	p2 =	seq.s32 s10, $0x1;
	s10 =	sld [smem:$0x3FB8]  }
0x3d: {  	_ =	shalt  }
0x3e: {  	_ =	shalt  }
0x3f: {  	_ =	shalt  }
0x40: {  	_ =	shalt  }
0x41: {  	_ =	shalt  }
0x42: {  	_ =	shalt  }
0x43: {  	_ =	shalt  }
0x44: {  	_ =	shalt  }
0x45: {  	_ =	shalt  }
0x46: {  	_ =	shalt  }
0x47: {  	_ =	shalt  }
0x48: {  	_ =	shalt  }
0x49: {  	_ =	shalt  }
0x4a: {  	_ =	shalt  }
0x4b: {  	_ =	shalt  }
0x4c: {  	_ =	shalt  }
0x4d: {  	_ =	shalt  }
0x4e: {  	_ =	shalt  }
0x4f: {  	_ =	shalt  }
0x50: {  	_ =	shalt  }
0x51: {  	_ =	shalt  }
0x52: {  	_ =	shalt  }
0x53: {  	_ =	shalt  }
0x54: {  	_ =	shalt  }
0x55: {  	_ =	shalt  }
0x56: {  	_ =	shalt  }
0x57: {  	_ =	shalt  }
0x58: {  	_ =	shalt  }
0x59: {  	_ =	shalt  }
0x5a: {  	_ =	shalt  }
0x5b: {  	_ =	shalt  }
0x5c: {  	_ =	shalt  }
0x5d: {  	_ =	shalt  }
0x5e: {  	_ =	shalt  }
0x5f: {  	_ =	shalt  }
0x60: {  	_ =	shalt  }
0x61: {  	_ =	shalt  }
0x62: {  	_ =	shalt  }
0x63: {  	_ =	shalt  }
0x64: {  	_ =	shalt  }
0x65: {  	_ =	shalt  }
0x66: {  	_ =	shalt  }
0x67: {  	_ =	shalt  }
0x68: {  	_ =	shalt  }
0x69: {  	_ =	shalt  }
0x6a: {  	_ =	shalt  }
0x6b: {  	_ =	shalt  }
0x6c: {  	_ =	shalt  }
0x6d: {  	_ =	shalt  }
0x6e: {  	_ =	shalt  }
0x6f: {  	_ =	shalt  }
0x70: {  	_ =	shalt  }
0x71: {  	_ =	shalt  }
0x72: {  	_ =	shalt  }
0x73: {  	_ =	shalt  }
0x74: {  	_ =	shalt  }
0x75: {  	_ =	shalt  }
0x76: {  	_ =	shalt  }
0x77: {  	_ =	shalt  }
0x78: {  	_ =	shalt  }
0x79: {  	_ =	shalt  }
0x7a: {  	_ =	shalt  }
0x7b: {  	_ =	shalt  }
0x7c: {  	_ =	shalt  }
0x7d: {  	_ =	shalt  }
0x7e: {  	_ =	shalt  }
0x7f: {  	_ =	shalt  }
0x80: {  	_ =	shalt  }
0x81: {  	_ =	shalt  }
0x82: {  	_ =	shalt  }
0x83: {  	_ =	shalt  }
0x84: {  	_ =	shalt  }
0x85: {  	_ =	shalt  }
0x86: {  	_ =	shalt  }
0x87: {  	_ =	shalt  }
.Lfunc_end0:
.L_simem_size_0:
called_computation_lowered:
.L_overlay_start_0:
0x88: {  	s2 =	sld [smem:$0x3FD9]  }
0x89: {  	s3 =	sld [smem:$0x3FFE];
	_ =	sdelay $0x1  }
0x8a: {  	s1 =	srdreg.scid  }
0x8b: {  	s0 =	sand.u32 $0x1, s1  }
0x8c: {  	s16 =	sshll.u32 s0, $0xA;
	s2 =	sadd.s32 s3, s2  }
0x8d: {  	s2 =	sadd.s32 s2, s16  }
0x8e: {  	[smem:$0x3FC4] =	sst s2  }
0x8f: {  	_ = 	snop  }
0x90: {  	(tm) =	ssettm $0x1  }
0x91: {  	s17 =	sld [smem:$0x3FFB];
	_ =	sdelay $0x3  }
0x92: {  	_ =	strace s17  }
0x93: {  	s2 =	sld [smem:$0x3FFC];
	_ =	sdelay $0x3  }
0x94: {  	_ =	strace s2  }
0x95: {  	s2 =	sld [smem:$0x3FFD];
	_ =	sdelay $0x3  }
0x96: {  	_ =	strace s2  }
0x97: {  	_ =	strace $0x8FFFFFFF  }
0x98: {  	s18 =	sld [smem:$0x3FDB];
	_ =	sdelay $0x1  }
0x99: {  	s19 =	simm.s32 $_scs_section_size  }
0x9a: {  	s4 =	simm.s32 $_size__tile_overlayer_lowered;
	s5 =	simm.s32 $_tile_overlayer_lowered  }
0x9b: {  	s22 =	simm.s32 $0x1BFF;
	s21 =	sshll.u32 s5, $0x1;
	s2 =	sadd.s32 s19, s18  }
0x9c: {  	s6 =	simm.s32 $0x0;
	s20 =	sshll.u32 s4, $0x1;
	s4 =	sadd.s32 s21, s2  }
0x9d: {  	[timem:s6], [sflag:s22] =	dma.local [hbm:s4], s20  }
0x9e: {  	_ =	swait.ge [sflag:s22], s20  }
0x9f: {  	s3 =	ssub.s32 $0x0, s20;
	[sflag:s22] =	ssyncset.done $0x0  }
0xa0: {  	[sflag:s22] =	ssyncadd.s32 s3;
	_ =	sdelay $0x1  }
0xa1: {  	s23 =	simm.s32 $0x1B8B  }
0xa2: {  	_ =	swait.ge [sflag:s23], $0x1  }
0xa3: {  	[sflag:s23] =	ssyncset.done $0x0  }
0xa4: {  	s25 =	simm.s32 $0x1B8E;
	s24 =	sld [smem:$0x3FFE];
	[sflag:s23] =	ssyncadd.s32 $0xFFFFFFFF  }
0xa5: {  	s26 =	simm.s32 $execute0_lowered;
	[smem:$0x3FD2] =	sst s25  }
0xa6: {  	s4 =	sshll.u32 s26, $0x1;
	_ =	strace $0x80000046;
	[dreg:$0x1] =	wrdreg $0xFFFFFFFF  }
0xa7: {  	s28 =	simm.s32 $_size_execute0_lowered;
	s2 =	sadd.s32 s2, s4;
	[dreg:$0x0] =	wrdreg $0x0  }
0xa8: {  	s4 =	sshll.u32 s28, $0x1;
	[dreg:$0x2] =	wrdreg s2  }
0xa9: {  	[dreg:$0x3] =	wrdreg s4  }
0xaa: {  	[dreg:$0x4] =	wrdreg $0xC0  }
0xab: {  	_ =	task [dreg:s6], $0x5FFFF  }
0xac: {  	[dreg:$0x1] =	wrdreg $0xFFFFFFFF  }
0xad: {  	[dreg:$0x0] =	wrdreg $0x60  }
0xae: {  	[dreg:$0x2] =	wrdreg s24  }
0xaf: {  	[dreg:$0x3] =	wrdreg $0x9  }
0xb0: {  	_ =	task.clear_ibuf [dreg:s6], $0x4FFFF;
	_ =	strace $0x90000046  }
0xb1: {  	s29 =	simm.s32 $0x9;
	_ =	strace $0x80000048  }
0xb2: {  	_ =	swait.ge [sflag:s29], $0x1  }
0xb3: {  	[sflag:s29] =	ssyncadd.s32 $0xFFFFFFFF  }
0xb4: {  	_ =	strace $0x90000048  }
0xb5: {  	_ =	sfence  }
0xb6: {  	s30 =	sld [smem:$0x0];
	_ =	sdelay $0x2  }
0xb7: {  	s31 =	sshll.u32 s1, $0xD;
	s1 =	sshrl.u32 s1, $0x2  }
0xb8: {  	s3 =	sand.u32 $0x4000, s31;
	s1 =	sadd.s32 s1, s30  }
0xb9: {  	s0 =	sor.u32 s3, s0;
	s1 =	sshll.u32 s1, $0x11  }
0xba: {  	s0 =	sor.u32 s1, s0  }
0xbb: {  	s0 =	sadd.s32 $0x8F2B, s0  }
0xbc: {  	[sflag:s0] =	ssyncadd.remote.s32 $0x1  }
0xbd: {  	_ =	sfence.sel $0xFFFF  }
0xbe: {  	[dreg:$0x0] =	wrdreg $0xFFFFFFFF;
	(pc) =	sbr.abs _section_cstart, $3  }
0xbf: {  	[dreg:$0x1] =	wrdreg $0xFFFFFFFF  }
0xc0: {  	_ =	task.clear_ibuf [dreg:s6], $0x2FFFF;
	_ =	strace $0x9FFFFFFF  }
0xc1: {  	(tm) =	ssettm $0x7FFFFFFF  }
tec
execute0_lowered:
.L_overlay_start_1:
0x0: {  	(tag) =	ssettag $0x1  }
0x1: {  	s0 =	srdreg.scid  }
0x2: {  	s4 =	rddreg [dreg:$0x0];
	s2 =	simm.s32 $0x0;
	s3 =	sand.u32 $0x1, s0  }
0x3: {  	s8 =	simm.s32 $0x1;
	s0 =	stileid.u32;
	s1 =	sshll.u32 s3, $0x4  }
0x4: {  	s9 =	simm.s32 $0x80;
	s10 =	simm.s32 $0x400;
	s5 =	sor.u32 s0, s1  }
0x5: {  	s11 =	simm.s32 $0x0;
	[smem:$0x7FF] =	sst s2;
	s6 =	sshrl.u32 s5, $0x3  }
0x6: {  	s7 =	sshll.u32 s0, $0x7;
	s30 =	ssub.s32 $0x2, s3;
	s6 =	smul.u32 $0x28000, s6  }
0x7: {  	s3 =	sadd.s32 $0xCA00, s4;
	s7 =	sand.u32 $0x380, s7;
	s5 =	smul.u32 $0x580, s5  }
0x8: {  	s1 =	rddreg [dreg:$0x1];
	_ =	strace $0x80000047;
	s6 =	sor.u32 s7, s6  }
0x9: {  	s31 =	sshrl.u32 s30, $0x1;
	s5 =	sadd.s32 s5, s4;
	s6 =	sshrl.u32 s6, $0x3  }
0xa: {  	s7 =	ssub.s32 s30, s31;
	s6 =	sadd.s32 s6, s4;
	s4 =	sadd.s32 $0x1A00, s5  }
0xb: {  	v0 =	vimm.f32 $1.000000000e+00;
	s5 =	sadd.s32 $0xD400, s6;
	s6 =	smax.u32 s7, $0x1;
	s7 =	simm.s32 $0x2C00  }
.LBB2_1:
0xc: {  	[tilespmem:s7], [sflag:$0x1] =	stream.linear.gather [hbm4b:s3+s2], $0x5000, $0x38;
	[tilespmem:$0x7C00] =	vst v63  }
0xd: {  	_ =	swait.ge [sflag:s8], $0x5000  }
0xe: {  	[sflag:s8] =	ssyncset.done $0x0  }
0xf: {  	[sflag:s8] =	ssyncadd.s32 $0xFFFFB000  }
0x10: {  	[tilespmem:s2], [sflag:$0x1] =	stream.linear.gather [hbm4b:s4+s2], $0x2A00, $0x38;
	[tilespmem:$0x7C00] =	vst v63  }
0x11: {  	_ =	swait.ge [sflag:s8], $0x2A00  }
0x12: {  	[sflag:s8] =	ssyncset.done $0x0  }
0x13: {  	s12 =	simm.s32 $0x0;
	[sflag:s8] =	ssyncadd.s32 $0xFFFFD600  }
.LBB2_2:
0x14: {  	s13 =	sshra.s32 s12, $0x2  }
0x15: {  	v1 =	vld [tilespmem:s13+$0x0];
	_ =	sdelay $0x7  }
0x16: {  	[tilespmem:v1+s7+$0x0] =	vst.idx.add.f32.msk $0xffff, v0  }
0x17: {  	v1 =	vld [tilespmem:s13+$0x10];
	_ =	sdelay $0x4  }
0x18: {  	v1 =	vadd.s32 $0x2800, v1;
	_ =	sdelay $0x4  }
0x19: {  	[tilespmem:v1+s7+$0x0] =	vst.idx.add.f32.msk $0xffff, v0  }
0x1a: {  	v1 =	vld [tilespmem:s13+$0x20];
	_ =	sdelay $0x7  }
0x1b: {  	[tilespmem:v1+s7+$0x0] =	vst.idx.add.f32.msk $0xffff, v0  }
0x1c: {  	v1 =	vld [tilespmem:s13+$0x30];
	_ =	sdelay $0x4  }
0x1d: {  	v1 =	vadd.s32 $0x2800, v1;
	_ =	sdelay $0x4  }
0x1e: {  	[tilespmem:v1+s7+$0x0] =	vst.idx.add.f32.msk $0xffff, v0  }
0x1f: {  	v1 =	vld [tilespmem:s13+$0x40];
	_ =	sdelay $0x7  }
0x20: {  	[tilespmem:v1+s7+$0x0] =	vst.idx.add.f32.msk $0xffff, v0  }
0x21: {  	v1 =	vld [tilespmem:s13+$0x50];
	_ =	sdelay $0x4  }
0x22: {  	v1 =	vadd.s32 $0x2800, v1;
	_ =	sdelay $0x4  }
0x23: {  	[tilespmem:v1+s7+$0x0] =	vst.idx.add.f32.msk $0xffff, v0  }
0x24: {  	v1 =	vld [tilespmem:s13+$0x60];
	_ =	sdelay $0x7  }
0x25: {  	[tilespmem:v1+s7+$0x0] =	vst.idx.add.f32.msk $0xffff, v0  }
0x26: {  	v1 =	vld [tilespmem:s13+$0x70];
	_ =	sdelay $0x4  }
0x27: {  	p0 =	sne.s32 s12, $0xA600;
	v1 =	vadd.s32 $0x2800, v1  }
.Ltmp0:
0x28: {  	_ = 	snop;
	(pc) =	sbr.rel @p0 .LBB2_2-.Ltmp0, $2  }
0x29: {  	_ =	sdelay $0x2  }
0x2a: {  	s12 =	sadd.s32 $0x200, s12;
	[tilespmem:v1+s7+$0x0] =	vst.idx.add.f32.msk $0xffff, v0  }
0x2b: {  	s11 =	sadd.s32 $0x1, s11  }
0x2c: {  	p0 =	sne.s32 s11, s6  }
.Ltmp1:
0x2d: {  	_ = 	snop;
	(pc) =	sbr.rel @p0 .LBB2_1-.Ltmp1, $4  }
0x2e: {  	[hbm4b:s5+s9] =	stream.strided.scatter [tilespmem:s7], [sflag:$0x1], $0x5000, s10, s9, $0x38;
	[tilespmem:$0x7C00] =	vst v63  }
0x2f: {  	_ =	swait.ge [sflag:s8], $0x5000  }
0x30: {  	[sflag:s8] =	ssyncset.done $0x0  }
0x31: {  	[sflag:s8] =	ssyncadd.s32 $0xFFFFB000  }
0x32: {  	_ =	sfence.sel $0x180000  }
0x33: {  	[bflag:$0x0] =	sbarrier.arrive $0xFFFF  }
0x34: {  	p0 =	sne.s32 s0, $0x0;
	_ =	strace $0x90000047  }
0x35: {  	s0 =	sadd.s32 @!p0 $0x100000, s1;
	[bflag:$0x2] =	sbarrier.arrive $0xFFFF  }
0x36: {  	[sflag:s0] =	ssyncadd.tile.s32 @!p0 $0x1;
	_ =	shalt  }
.Lfunc_end2:
_tile_overlayer_lowered:
.L_overlay_start_2:
0x37: {  	(tag) =	ssettag $0x2  }
0x38: {  	s0 =	rddreg [dreg:$0x0];
	s2 =	stileid.u32  }
0x39: {  	s1 =	rddreg [dreg:$0x1];
	p0 =	sne.s32 s2, $0x0  }
0x3a: {  	s3 =	rddreg [dreg:$0x2];
	[bflag:$0x3] =	sbarrier.arrive $0xFFFF;
	s2 =	simm.s32 @!p0 $0x1C01  }
0x3b: {  	[timem:s3], [sflag:s2] =	dma.local @!p0 [hbm:s0], s1  }
0x3c: {  	s0 =	simm.s32 @!p0 $0x1  }
0x3d: {  	_ =	swait.ge @!p0 [sflag:s0], s1  }
0x3e: {  	s1 =	ssub.s32 @!p0 $0x0, s1;
	[sflag:s0] =	ssyncset.done @!p0 $0x0  }
0x3f: {  	[sflag:s0] =	ssyncadd.s32 @!p0 s1  }
0x40: {  	[bflag:$0x3] =	sbarrier.arrive $0xFFFF  }
0x41: {  	_ =	shalt  }

// kernel: kernel.9.cloned.1.call-start
scs
__scs_entry_jumppad:
0x0: {  	(pc) =	sbr.rel $0x88, $3  }
0x1: {  	(tag) =	ssettag $0x0;
	lr =	simm.s32 $0x1  }
0x2: {  	[smem:$0x3F9D] =	sst lr;
	_ =	strace $0xD0000000  }
0x3: {  	_ = 	snop  }
0x4: {  	_ = 	snop  }
0x5: {  	_ = 	snop  }
0x6: {  	_ = 	snop  }
0x7: {  	_ = 	snop  }
__scs_overlays_trampoline_lowered:
0x8: {  	[smem:$0x3FAC] =	sst s0  }
0x9: {  	[smem:$0x3FAD] =	sst s1  }
0xa: {  	[smem:$0x3FAE] =	sst s2  }
0xb: {  	[smem:$0x3FAF] =	sst s3  }
0xc: {  	[smem:$0x3FB0] =	sst s4  }
0xd: {  	[smem:$0x3FB1] =	sst s5  }
0xe: {  	[smem:$0x3FB2] =	sst s6  }
0xf: {  	[smem:$0x3FB3] =	sst s7  }
0x10: {  	[smem:$0x3FB4] =	sst s8  }
0x11: {  	[smem:$0x3FB5] =	sst s9;
	s0 =	simm.s32 @!p0 $0x0  }
0x12: {  	s1 =	sld [smem:$0x3F9B];
	s0 =	simm.s32 @p0 $0x1  }
0x13: {  	[smem:$0x3FB6] =	sst s0;
	s0 =	simm.s32 @!p1 $0x0  }
0x14: {  	s2 =	sld [smem:$0x3F9A];
	s0 =	simm.s32 @p1 $0x1  }
0x15: {  	[smem:$0x3FB7] =	sst s0;
	s0 =	simm.s32 @!p2 $0x0  }
0x16: {  	s3 =	sld [smem:$0x3FDB];
	s0 =	simm.s32 @p2 $0x1  }
0x17: {  	s4 =	simm.s32 $0x1BF5;
	[smem:$0x3FB9] =	sst s0  }
0x18: {  	s0 =	sld [smem:$0x3F9C];
	_ =	swait.ge [sflag:s4], $0x0  }
0x19: {  	s7 =	sld [smem:$0x3F9D]  }
0x1a: {  	s8 =	sadd.s32 $0xFFFFE003, lr  }
0x1b: {  	s9 =	sadd.s32 $0xFFFFFEF7, lr;
	s5 =	simm.s32 $0xFFFFFFFF;
	p2 =	slt.u32 s8, $0xFFFFF086  }
0x1c: {  	p1 =	slt.u32 s9, $0xF7A;
	s5 =	simm.s32 @!p2 $0x0  }
0x1d: {  	s5 =	simm.s32 @p1 $0x1;
	p0 =	seq.s32 s7, s2  }
0x1e: {  	s7 =	smul.u32 @!p0 $0xF7A, s2;
	p2 =	seq.s32 @!p0 s5, $0x0  }
0x1f: {  	s9 =	smul.u32 $0xF7A, s1;
	s8 =	simm.s32 @!p0 $0x1BF5;
	p2 =	por !p2, p0  }
0x20: {  	[sflag:s8] =	ssyncset.s32 @!p0 $0xFFFFF086;
	s6 =	sadd.s32 @!p0 s3, s7;
	s7 =	simm.s32 @!p0 $0x108  }
0x21: {  	s3 =	sadd.s32 s3, s9;
	s6 =	sadd.s32 @!p0 $0x88, s6;
	s7 =	simm.s32 @p2 $0x1082  }
0x22: {  	[simem:s7], [sflag:s8] =	dma.local @!p0 [hbm:s6], $0xF7A  }
0x23: {  	s9 =	sor.u32 $0xD0000000, s2;
	s6 =	simm.s32 $0x108;
	_ =	swait.ge @!p0 [sflag:s8], $0x0  }
0x24: {  	s3 =	sadd.s32 $0x88, s3;
	s6 =	simm.s32 @!p1 $0x1082;
	[sflag:s4] =	ssyncset.s32 $0xFFFFF086  }
0x25: {  	[simem:s6], [sflag:s4] =	dma.local [hbm:s3], $0xF7A  }
0x26: {  	[smem:$0x3F9D] =	sst s1;
	(tag) =	ssettag s2;
	_ =	strace s9  }
0x27: {  	s1 =	sld [smem:$0x3FAD]  }
0x28: {  	s2 =	sld [smem:$0x3FAE]  }
0x29: {  	s4 =	sld [smem:$0x3FB0]  }
0x2a: {  	p0 =	seq.s32 s5, $0x0;
	s5 =	sld [smem:$0x3FB1]  }
0x2b: {  	s6 =	sld [smem:$0x3FB2]  }
0x2c: {  	s7 =	sld [smem:$0x3FB3]  }
0x2d: {  	s3 =	simm.s32 $0x108;
	s8 =	sld [smem:$0x3FB4]  }
0x2e: {  	s3 =	simm.s32 @!p0 $0x1082;
	s9 =	sld [smem:$0x3FB5]  }
0x2f: {  	lr =	sadd.s32 s0, s3;
	s0 =	sld [smem:$0x3FAC]  }
0x30: {  	s3 =	sld [smem:$0x3FAF]  }
0x31: {  	[smem:$0x3FB8] =	sst s10  }
0x32: {  	s10 =	sld [smem:$0x3FB6];
	_ =	sdelay $0x3  }
0x33: {  	p0 =	seq.s32 s10, $0x1;
	s10 =	sld [smem:$0x3FB8];
	_ =	sdelay $0x3  }
0x34: {  	[smem:$0x3FB8] =	sst s10  }
0x35: {  	s10 =	sld [smem:$0x3FB7];
	_ =	sdelay $0x3  }
0x36: {  	p1 =	seq.s32 s10, $0x1;
	s10 =	sld [smem:$0x3FB8];
	_ =	sdelay $0x3  }
0x37: {  	[smem:$0x3FB8] =	sst s10  }
0x38: {  	s10 =	sld [smem:$0x3FB9]  }
0x39: {  	_ = 	snop;
	(pc) =	sbr.ind lr, $3  }
0x3a: {  	_ = 	snop  }
0x3b: {  	_ = 	snop  }
0x3c: {  	p2 =	seq.s32 s10, $0x1;
	s10 =	sld [smem:$0x3FB8]  }
0x3d: {  	_ =	shalt  }
0x3e: {  	_ =	shalt  }
0x3f: {  	_ =	shalt  }
0x40: {  	_ =	shalt  }
0x41: {  	_ =	shalt  }
0x42: {  	_ =	shalt  }
0x43: {  	_ =	shalt  }
0x44: {  	_ =	shalt  }
0x45: {  	_ =	shalt  }
0x46: {  	_ =	shalt  }
0x47: {  	_ =	shalt  }
0x48: {  	_ =	shalt  }
0x49: {  	_ =	shalt  }
0x4a: {  	_ =	shalt  }
0x4b: {  	_ =	shalt  }
0x4c: {  	_ =	shalt  }
0x4d: {  	_ =	shalt  }
0x4e: {  	_ =	shalt  }
0x4f: {  	_ =	shalt  }
0x50: {  	_ =	shalt  }
0x51: {  	_ =	shalt  }
0x52: {  	_ =	shalt  }
0x53: {  	_ =	shalt  }
0x54: {  	_ =	shalt  }
0x55: {  	_ =	shalt  }
0x56: {  	_ =	shalt  }
0x57: {  	_ =	shalt  }
0x58: {  	_ =	shalt  }
0x59: {  	_ =	shalt  }
0x5a: {  	_ =	shalt  }
0x5b: {  	_ =	shalt  }
0x5c: {  	_ =	shalt  }
0x5d: {  	_ =	shalt  }
0x5e: {  	_ =	shalt  }
0x5f: {  	_ =	shalt  }
0x60: {  	_ =	shalt  }
0x61: {  	_ =	shalt  }
0x62: {  	_ =	shalt  }
0x63: {  	_ =	shalt  }
0x64: {  	_ =	shalt  }
0x65: {  	_ =	shalt  }
0x66: {  	_ =	shalt  }
0x67: {  	_ =	shalt  }
0x68: {  	_ =	shalt  }
0x69: {  	_ =	shalt  }
0x6a: {  	_ =	shalt  }
0x6b: {  	_ =	shalt  }
0x6c: {  	_ =	shalt  }
0x6d: {  	_ =	shalt  }
0x6e: {  	_ =	shalt  }
0x6f: {  	_ =	shalt  }
0x70: {  	_ =	shalt  }
0x71: {  	_ =	shalt  }
0x72: {  	_ =	shalt  }
0x73: {  	_ =	shalt  }
0x74: {  	_ =	shalt  }
0x75: {  	_ =	shalt  }
0x76: {  	_ =	shalt  }
0x77: {  	_ =	shalt  }
0x78: {  	_ =	shalt  }
0x79: {  	_ =	shalt  }
0x7a: {  	_ =	shalt  }
0x7b: {  	_ =	shalt  }
0x7c: {  	_ =	shalt  }
0x7d: {  	_ =	shalt  }
0x7e: {  	_ =	shalt  }
0x7f: {  	_ =	shalt  }
0x80: {  	_ =	shalt  }
0x81: {  	_ =	shalt  }
0x82: {  	_ =	shalt  }
0x83: {  	_ =	shalt  }
0x84: {  	_ =	shalt  }
0x85: {  	_ =	shalt  }
0x86: {  	_ =	shalt  }
0x87: {  	_ =	shalt  }
.Lfunc_end0:
.L_simem_size_0:
called_computation.1_lowered:
.L_overlay_start_0:
0x88: {  	s2 =	sld [smem:$0x3FD9]  }
0x89: {  	s3 =	sld [smem:$0x3FFE];
	_ =	sdelay $0x1  }
0x8a: {  	s1 =	srdreg.scid  }
0x8b: {  	s0 =	sand.u32 $0x1, s1  }
0x8c: {  	s17 =	sshll.u32 s0, $0xA;
	s2 =	sadd.s32 s3, s2  }
0x8d: {  	s2 =	sadd.s32 s2, s17  }
0x8e: {  	[smem:$0x3FC4] =	sst s2  }
0x8f: {  	_ = 	snop  }
0x90: {  	s2 =	sld [smem:$0x3FD0];
	(tm) =	ssettm $0x1  }
0x91: {  	s18 =	sld [smem:$0x3FFB];
	_ =	sdelay $0x3  }
0x92: {  	_ =	strace s18  }
0x93: {  	s3 =	sld [smem:$0x3FFC];
	_ =	sdelay $0x3  }
0x94: {  	_ =	strace s3  }
0x95: {  	s3 =	sld [smem:$0x3FFD];
	_ =	sdelay $0x3  }
0x96: {  	_ =	strace s3  }
0x97: {  	_ =	strace $0x8FFFFFFF  }
0x98: {  	s19 =	sld [smem:$0x3FDB];
	_ =	sdelay $0x1  }
0x99: {  	s4 =	simm.s32 $_scs_section_size  }
0x9a: {  	s5 =	simm.s32 $_size__tile_overlayer_lowered;
	s6 =	simm.s32 $_tile_overlayer_lowered  }
0x9b: {  	s22 =	simm.s32 $0x1BFF;
	s21 =	sshll.u32 s6, $0x1;
	s3 =	sadd.s32 s4, s19  }
0x9c: {  	s7 =	simm.s32 $0x0;
	s20 =	sshll.u32 s5, $0x1;
	s5 =	sadd.s32 s21, s3  }
0x9d: {  	[timem:s7], [sflag:s22] =	dma.local [hbm:s5], s20  }
0x9e: {  	_ =	swait.ge [sflag:s22], s20  }
0x9f: {  	s4 =	ssub.s32 $0x0, s20;
	[sflag:s22] =	ssyncset.done $0x0  }
0xa0: {  	[sflag:s22] =	ssyncadd.s32 s4;
	_ =	sdelay $0x1  }
0xa1: {  	s23 =	simm.s32 $0x1B8B  }
0xa2: {  	_ =	swait.ge [sflag:s23], $0x1  }
0xa3: {  	[sflag:s23] =	ssyncset.done $0x0  }
0xa4: {  	s25 =	simm.s32 $0x1B8E;
	s24 =	sld [smem:$0x3FFE];
	[sflag:s23] =	ssyncadd.s32 $0xFFFFFFFF  }
0xa5: {  	s26 =	simm.s32 $execute0_lowered;
	[smem:$0x3FD2] =	sst s25  }
0xa6: {  	s5 =	sshll.u32 s26, $0x1;
	_ =	strace $0x80000049;
	[dreg:$0x1] =	wrdreg $0xFFFFFFFF  }
0xa7: {  	s28 =	simm.s32 $_size_execute0_lowered;
	s3 =	sadd.s32 s3, s5;
	[dreg:$0x0] =	wrdreg $0x0  }
0xa8: {  	s5 =	sshll.u32 s28, $0x1;
	[dreg:$0x2] =	wrdreg s3  }
0xa9: {  	[dreg:$0x3] =	wrdreg s5  }
0xaa: {  	[dreg:$0x4] =	wrdreg $0xC0  }
0xab: {  	_ =	task [dreg:s7], $0x5FFFF  }
0xac: {  	[dreg:$0x1] =	wrdreg $0xFFFFFFFF  }
0xad: {  	[dreg:$0x0] =	wrdreg $0x60  }
0xae: {  	[dreg:$0x2] =	wrdreg s24  }
0xaf: {  	[dreg:$0x3] =	wrdreg s2  }
0xb0: {  	[dreg:$0x4] =	wrdreg $0x0  }
0xb1: {  	[dreg:$0x5] =	wrdreg $0x9  }
0xb2: {  	_ =	task.clear_ibuf [dreg:s7], $0x6FFFF;
	_ =	strace $0x90000049  }
0xb3: {  	s29 =	simm.s32 $0x9;
	_ =	strace $0x8000004B  }
0xb4: {  	_ =	swait.ge [sflag:s29], $0x1  }
0xb5: {  	[sflag:s29] =	ssyncadd.s32 $0xFFFFFFFF  }
0xb6: {  	_ =	strace $0x9000004B  }
0xb7: {  	_ =	sfence  }
0xb8: {  	s30 =	sld [smem:$0x0];
	_ =	sdelay $0x2  }
0xb9: {  	s31 =	sshll.u32 s1, $0xD;
	s1 =	sshrl.u32 s1, $0x2  }
0xba: {  	s3 =	sand.u32 $0x4000, s31;
	s1 =	sadd.s32 s1, s30  }
0xbb: {  	s0 =	sor.u32 s3, s0;
	s1 =	sshll.u32 s1, $0x11  }
0xbc: {  	s0 =	sor.u32 s1, s0  }
0xbd: {  	s0 =	sadd.s32 $0x8F2B, s0  }
0xbe: {  	[sflag:s0] =	ssyncadd.remote.s32 $0x1  }
0xbf: {  	_ =	sfence.sel $0xFFFF  }
0xc0: {  	[dreg:$0x0] =	wrdreg $0xFFFFFFFF;
	(pc) =	sbr.abs _section_cstart, $3  }
0xc1: {  	[dreg:$0x1] =	wrdreg $0xFFFFFFFF  }
0xc2: {  	_ =	task.clear_ibuf [dreg:s7], $0x2FFFF;
	_ =	strace $0x9FFFFFFF  }
0xc3: {  	(tm) =	ssettm $0x7FFFFFFF  }
tec
execute0_lowered:
.L_overlay_start_1:
0x0: {  	(tag) =	ssettag $0x1  }
0x1: {  	s0 =	rddreg [dreg:$0x0]  }
0x2: {  	s9 =	rddreg [dreg:$0x1]  }
0x3: {  	s2 =	rddreg [dreg:$0x2]  }
0x4: {  	s1 =	srdreg.scid;
	s10 =	stileid.u32  }
0x5: {  	s4 =	simm.s32 $0x0;
	s29 =	simm.s32 $0x13C80;
	s25 =	smul.u32 $0x13800, s10  }
0x6: {  	s31 =	simm.s32 $0x5;
	s1 =	sand.u32 $0x1, s1;
	s7 =	smul.u32 $0x4E000, s10  }
0x7: {  	[smem:$0x7FF] =	sst s4;
	s5 =	sadd.s32 $0x1A00, s0;
	s13 =	smul.u32 $0x5400, s10  }
0x8: {  	s6 =	sadd.s32 $0x29A00, s0;
	s11 =	sshll.u32 s10, $0x6;
	s3 =	smul.u32 $0x140000, s1  }
0x9: {  	_ =	strace $0x8000004A;
	[dreg:$0x4] =	wrdreg s6;
	s26 =	sshll.u32 s1, $0x4  }
0xa: {  	s28 =	ssub.s32 $0x2, s1;
	s1 =	smul.u32 $0x54000, s1;
	s4 =	sor.u32 s10, s26  }
0xb: {  	s8 =	sshrl.u32 s28, $0x1;
	s10 =	sor.u32 $0x1C0D, s11;
	s11 =	simm.s32 $0x8  }
0xc: {  	s3 =	sadd.s32 s25, s3;
	s4 =	smul.u32 $0x5400, s4;
	s30 =	ssub.s32 s28, s8  }
0xd: {  	s8 =	sshrl.u32 s7, $0x2;
	s1 =	sadd.s32 s13, s1;
	s13 =	simm.s32 $0xA  }
0xe: {  	s7 =	simm.s32 $0xB;
	[dreg:$0x6] =	wrdreg s10;
	s3 =	sshrl.u32 s3, $0x3  }
0xf: {  	s6 =	sadd.s32 s8, s2;
	s19 =	sadd.s32 $0xA00, s1;
	s20 =	sadd.s32 $0x900, s1  }
0x10: {  	s22 =	sadd.s32 $0x800, s1;
	s24 =	sadd.s32 $0x700, s1;
	s26 =	sadd.s32 $0x500, s1  }
0x11: {  	s28 =	sadd.s32 $0x600, s1;
	s1 =	simm.s32 $0x0;
	s0 =	sadd.s32 s3, s0  }
0x12: {  	s4 =	sshrl.u32 s4, $0x3;
	s3 =	smax.u32 s30, $0x1;
	s21 =	sshrl.u32 s20, $0x3  }
0x13: {  	s23 =	sshrl.u32 s22, $0x3;
	s25 =	sshrl.u32 s24, $0x3;
	[dreg:$0xe] =	wrdreg s28  }
0x14: {  	s30 =	sshrl.u32 s26, $0x3;
	s8 =	sshrl.u32 s6, $0x3;
	[dreg:$0xd] =	wrdreg s3  }
0x15: {  	s26 =	simm.s32 $0x2;
	s12 =	sadd.s32 s9, s4;
	[dreg:$0xf] =	wrdreg s8  }
0x16: {  	s6 =	simm.s32 $0x17E80;
	s0 =	sadd.s32 $0x2C200, s0;
	[dreg:$0x5] =	wrdreg s12  }
0x17: {  	s20 =	simm.s32 $0x1BE80;
	s14 =	sadd.s32 $0x20, s12;
	[dreg:$0xc] =	wrdreg s0  }
0x18: {  	s22 =	simm.s32 $0xC;
	s15 =	sadd.s32 $0x40, s12;
	[dreg:$0x7] =	wrdreg s14  }
0x19: {  	s3 =	simm.s32 $0x13E80;
	s16 =	sadd.s32 $0x60, s12;
	[dreg:$0x8] =	wrdreg s15  }
0x1a: {  	s17 =	sadd.s32 $0x80, s12;
	s18 =	sadd.s32 $0xA0, s12;
	[dreg:$0x9] =	wrdreg s16  }
.Ltmp0:
0x1b: {  	s0 =	sshrl.u32 s19, $0x3;
	[dreg:$0xa] =	wrdreg s17;
	(pc) =	sbr.rel .LBB2_1-.Ltmp0, $4  }
0x1c: {  	s19 =	sadd.s32 s25, s9;
	s12 =	simm.s32 $0xD;
	[dreg:$0xb] =	wrdreg s18  }
0x1d: {  	s16 =	sadd.s32 s0, s9;
	s17 =	sadd.s32 s21, s9;
	s18 =	sadd.s32 s23, s9  }
0x1e: {  	s21 =	sadd.s32 s30, s9;
	s0 =	simm.s32 $0x80;
	s9 =	simm.s32 $0x7  }
0x1f: {  	s14 =	simm.s32 $0x4;
	s15 =	simm.s32 $0x9;
	s23 =	simm.s32 $0x6  }
.LBB2_4:
0x20: {  	_ =	swait.ge [sflag:s13], $0x4000  }
0x21: {  	[sflag:s13] =	ssyncset.done $0x0  }
0x22: {  	[sflag:s13] =	ssyncadd.s32 $0xFFFFC000  }
0x23: {  	_ =	swait.ge [sflag:s7], $0x4000  }
0x24: {  	[sflag:s7] =	ssyncset.done $0x0  }
0x25: {  	[sflag:s7] =	ssyncadd.s32 $0xFFFFC000  }
0x26: {  	_ =	swait.ge [sflag:s22], $0x4000  }
0x27: {  	[sflag:s22] =	ssyncset.done $0x0  }
0x28: {  	[sflag:s22] =	ssyncadd.s32 $0xFFFFC000  }
0x29: {  	[bflag:$0x0] =	sbarrier.arrive $0xFFFF  }
0x2a: {  	s10 =	rddreg [dreg:$0x6]  }
0x2b: {  	s4 =	rddreg [dreg:$0xc]  }
0x2c: {  	s12 =	simm.s32 $0xD;
	s8 =	rddreg [dreg:$0xf]  }
0x2d: {  	[hbm:s4], [sflag:s10] =	dma.local [spmem:s8], $0x2800  }
0x2e: {  	_ =	swait.ge [sflag:s12], $0x2800  }
0x2f: {  	s1 =	rddreg [dreg:$0x10]  }
0x30: {  	s30 =	rddreg [dreg:$0xd];
	s1 =	sadd.s32 $0x1, s1  }
0x31: {  	p0 =	sne.s32 s1, s30  }
.Ltmp1:
0x32: {  	_ = 	snop;
	(pc) =	sbr.rel @!p0 .LBB2_5-.Ltmp1, $3  }
0x33: {  	_ =	sdelay $0x1  }
0x34: {  	[sflag:s12] =	ssyncset.done $0x0  }
0x35: {  	[sflag:s12] =	ssyncadd.s32 $0xFFFFD800  }
.LBB2_1:
0x36: {  	[dreg:$0x10] =	wrdreg s1  }
0x37: {  	s4 =	rddreg [dreg:$0x4]  }
0x38: {  	[spmem:s8], [sflag:s10] =	dma.local [hbm:s4], $0x2800  }
0x39: {  	_ =	swait.ge [sflag:s12], $0x2800  }
0x3a: {  	s4 =	simm.s32 $0x0;
	[sflag:s12] =	ssyncset.done $0x0  }
0x3b: {  	s30 =	rddreg [dreg:$0x5];
	[sflag:s12] =	ssyncadd.s32 $0xFFFFD800;
	s12 =	simm.s32 $0x13880  }
0x3c: {  	[tilespmem:s12], [sflag:$0x1] =	stream.linear.gather [hbm4b:s30+s4], $0x100, $0x38;
	[tilespmem:$0x1FE80] =	vst v63  }
0x3d: {  	s24 =	simm.s32 $0x13980;
	s1 =	rddreg [dreg:$0x7]  }
0x3e: {  	[tilespmem:s24], [sflag:$0x2] =	stream.linear.gather [hbm4b:s1+s4], $0x100, $0x38;
	[tilespmem:$0x1FE80] =	vst v63  }
0x3f: {  	s25 =	simm.s32 $0x13A80;
	s10 =	rddreg [dreg:$0x8]  }
0x40: {  	[tilespmem:s25], [sflag:$0x3] =	stream.linear.gather [hbm4b:s10+s4], $0x100, $0x38;
	[tilespmem:$0x1FE80] =	vst v63  }
0x41: {  	s28 =	rddreg [dreg:$0x9];
	s30 =	simm.s32 $0x13B80  }
0x42: {  	[tilespmem:s30], [sflag:$0x4] =	stream.linear.gather [hbm4b:s28+s4], $0x100, $0x38;
	[tilespmem:$0x1FE80] =	vst v63  }
0x43: {  	s10 =	rddreg [dreg:$0xa]  }
0x44: {  	[tilespmem:s29], [sflag:$0x5] =	stream.linear.gather [hbm4b:s10+s4], $0x100, $0x38;
	[tilespmem:$0x1FE80] =	vst v63  }
0x45: {  	s25 =	rddreg [dreg:$0xb];
	s28 =	simm.s32 $0x13D80  }
0x46: {  	[tilespmem:s28], [sflag:$0x6] =	stream.linear.gather [hbm4b:s25+s4], $0x100, $0x38;
	[tilespmem:$0x1FE80] =	vst v63  }
0x47: {  	s30 =	simm.s32 $0x1;
	[bflag:$0x0] =	sbarrier.arrive $0xFFFF  }
0x48: {  	_ =	swait.ge [sflag:s30], $0x100  }
0x49: {  	[sflag:s30] =	ssyncset.done $0x0  }
0x4a: {  	[sflag:s30] =	ssyncadd.s32 $0xFFFFFF00  }
0x4b: {  	[tilespmem:s3], [sflag:$0x7] =	stream.indirect.gather [hbm4b:s5+s0], $0x80, s12, s0, $0xb8;
	[tilespmem:$0x1FE80] =	vst v63  }
0x4c: {  	_ =	swait.ge [sflag:s26], $0x100  }
0x4d: {  	s8 =	simm.s32 $0x0;
	s1 =	simm.s32 $0x13980;
	[sflag:s26] =	ssyncset.done $0x0  }
0x4e: {  	s25 =	simm.s32 $0x0;
	s4 =	rddreg [dreg:$0xe];
	[sflag:s26] =	ssyncadd.s32 $0xFFFFFF00  }
0x4f: {  	[tilespmem:s6], [sflag:$0x8] =	stream.indirect.gather [hbm4b:s5+s0], $0x80, s24, s0, $0xb8;
	[tilespmem:$0x1FE80] =	vst v63  }
.LBB2_2:
0x50: {  	_ =	swait.ge [sflag:s9], $0x4000  }
0x51: {  	p0 =	seq.s32 s25, $0x0;
	[sflag:s9] =	ssyncset.done $0x0  }
0x52: {  	s10 =	simm.s32 $0x13900;
	s28 =	simm.s32 @p0 $0x3;
	[sflag:s9] =	ssyncadd.s32 $0xFFFFC000  }
0x53: {  	[spmem:s2] =	stream.indirect.scatter.add.f32 [tilespmem:s3], [sflag:$0xA], $0x80, s10, s0, $0xb8;
	[tilespmem:$0x1FE80] =	vst v63  }
0x54: {  	_ =	swait.ge @p0 [sflag:s28], $0x100  }
0x55: {  	s30 =	simm.s32 @p0 $0x13A80;
	[sflag:s28] =	ssyncset.done @p0 $0x0  }
0x56: {  	s10 =	simm.s32 @p0 $0x1BE80;
	[sflag:s28] =	ssyncadd.s32 @p0 $0xFFFFFF00;
	s28 =	simm.s32 @p0 $0x80  }
0x57: {  	[tilespmem:s10], [sflag:$0x9] =	stream.indirect.gather @p0 [hbm4b:s5+s28], $0x80, s30, s28, $0xb8;
	[tilespmem:$0x1FE80] =	vst v63  }
0x58: {  	s10 =	simm.s32 @!p0 $0xC  }
0x59: {  	_ =	swait.ge @!p0 [sflag:s10], $0x4000  }
0x5a: {  	[sflag:s10] =	ssyncset.done @!p0 $0x0  }
0x5b: {  	[sflag:s10] =	ssyncadd.s32 @!p0 $0xFFFFC000;
	s10 =	simm.s32 @!p0 $0x3  }
0x5c: {  	_ =	swait.ge @!p0 [sflag:s10], $0x100  }
0x5d: {  	s28 =	simm.s32 @!p0 $0x13A80;
	[sflag:s10] =	ssyncset.done @!p0 $0x0  }
0x5e: {  	s30 =	simm.s32 @!p0 $0x1BE80;
	[sflag:s10] =	ssyncadd.s32 @!p0 $0xFFFFFF00;
	s10 =	simm.s32 @!p0 $0x80  }
0x5f: {  	[tilespmem:s30], [sflag:$0x9] =	stream.indirect.gather @!p0 [hbm4b:s5+s10], $0x80, s28, s10, $0xb8;
	[tilespmem:$0x1FE80] =	vst v63  }
0x60: {  	s10 =	sadd.s32 @!p0 s25, s21;
	s28 =	simm.s32 @!p0 $0x0;
	s30 =	simm.s32 @!p0 $0x13D80  }
0x61: {  	[tilespmem:s30], [sflag:$0x6] =	stream.linear.gather @!p0 [hbm4b:s10+s28], $0x100, $0x38;
	[tilespmem:$0x1FE80] =	vst v63  }
0x62: {  	_ =	swait.ge [sflag:s11], $0x4000  }
0x63: {  	[sflag:s11] =	ssyncset.done $0x0  }
0x64: {  	s30 =	simm.s32 $0x13A00;
	[sflag:s11] =	ssyncadd.s32 $0xFFFFC000  }
0x65: {  	[spmem:s2] =	stream.indirect.scatter.add.f32 [tilespmem:s6], [sflag:$0xB], $0x80, s30, s0, $0xb8;
	[tilespmem:$0x1FE80] =	vst v63  }
0x66: {  	_ =	swait.ge [sflag:s13], $0x4000  }
0x67: {  	[sflag:s13] =	ssyncset.done $0x0  }
0x68: {  	[sflag:s13] =	ssyncadd.s32 $0xFFFFC000  }
0x69: {  	_ =	swait.ge [sflag:s14], $0x100  }
0x6a: {  	[sflag:s14] =	ssyncset.done $0x0  }
0x6b: {  	s12 =	simm.s32 $0x13B80;
	p0 =	seq.s32 s25, $0x9C0;
	[sflag:s14] =	ssyncadd.s32 $0xFFFFFF00  }
0x6c: {  	[tilespmem:s3], [sflag:$0x7] =	stream.indirect.gather [hbm4b:s5+s0], $0x80, s12, s0, $0xb8;
	[tilespmem:$0x1FE80] =	vst v63  }
0x6d: {  	s10 =	sshrl.u32 @!p0 s4, $0x3;
	s12 =	rddreg [dreg:$0x1]  }
0x6e: {  	s28 =	simm.s32 @!p0 $0x0;
	s30 =	simm.s32 @!p0 $0x13880;
	s10 =	sadd.s32 @!p0 s12, s10  }
0x6f: {  	[tilespmem:s30], [sflag:$0x1] =	stream.linear.gather @!p0 [hbm4b:s10+s28], $0x100, $0x38;
	[tilespmem:$0x1FE80] =	vst v63  }
0x70: {  	_ =	swait.ge [sflag:s15], $0x4000  }
0x71: {  	[sflag:s15] =	ssyncset.done $0x0  }
0x72: {  	s24 =	simm.s32 $0x13B00;
	[sflag:s15] =	ssyncadd.s32 $0xFFFFC000  }
0x73: {  	[spmem:s2] =	stream.indirect.scatter.add.f32 [tilespmem:s20], [sflag:$0xC], $0x80, s24, s0, $0xb8;
	[tilespmem:$0x1FE80] =	vst v63  }
0x74: {  	_ =	swait.ge [sflag:s7], $0x4000  }
0x75: {  	[sflag:s7] =	ssyncset.done $0x0  }
0x76: {  	[sflag:s7] =	ssyncadd.s32 $0xFFFFC000  }
0x77: {  	_ =	swait.ge [sflag:s31], $0x100  }
0x78: {  	[sflag:s31] =	ssyncset.done $0x0  }
0x79: {  	[sflag:s31] =	ssyncadd.s32 $0xFFFFFF00  }
0x7a: {  	[tilespmem:s6], [sflag:$0x8] =	stream.indirect.gather [hbm4b:s5+s0], $0x80, s29, s0, $0xb8;
	[tilespmem:$0x1FE80] =	vst v63  }
0x7b: {  	s12 =	simm.s32 @!p0 $0x13980;
	s10 =	sadd.s32 @!p0 s25, s19  }
0x7c: {  	[tilespmem:s12], [sflag:$0x2] =	stream.linear.gather @!p0 [hbm4b:s10+s28], $0x100, $0x38;
	[tilespmem:$0x1FE80] =	vst v63  }
0x7d: {  	_ =	swait.ge [sflag:s9], $0x4000  }
0x7e: {  	[sflag:s9] =	ssyncset.done $0x0  }
0x7f: {  	s12 =	simm.s32 $0x13C00;
	[sflag:s9] =	ssyncadd.s32 $0xFFFFC000  }
0x80: {  	[spmem:s2] =	stream.indirect.scatter.add.f32 [tilespmem:s3], [sflag:$0xA], $0x80, s12, s0, $0xb8;
	[tilespmem:$0x1FE80] =	vst v63  }
0x81: {  	_ =	swait.ge [sflag:s22], $0x4000  }
0x82: {  	[sflag:s22] =	ssyncset.done $0x0  }
0x83: {  	[sflag:s22] =	ssyncadd.s32 $0xFFFFC000  }
0x84: {  	_ =	swait.ge [sflag:s23], $0x100  }
0x85: {  	[sflag:s23] =	ssyncset.done $0x0  }
0x86: {  	s24 =	simm.s32 $0x13D80;
	s10 =	simm.s32 @p0 $0x8;
	[sflag:s23] =	ssyncadd.s32 $0xFFFFFF00  }
0x87: {  	[tilespmem:s20], [sflag:$0x9] =	stream.indirect.gather [hbm4b:s5+s0], $0x80, s24, s0, $0xb8;
	[tilespmem:$0x1FE80] =	vst v63  }
0x88: {  	_ =	swait.ge @p0 [sflag:s10], $0x4000  }
0x89: {  	s12 =	simm.s32 @p0 $0x13D00;
	[sflag:s10] =	ssyncset.done @p0 $0x0  }
0x8a: {  	s24 =	simm.s32 @p0 $0x17E80;
	[sflag:s10] =	ssyncadd.s32 @p0 $0xFFFFC000;
	s10 =	simm.s32 @p0 $0x80  }
0x8b: {  	[spmem:s2] =	stream.indirect.scatter.add.f32 @p0 [tilespmem:s24], [sflag:$0xB], $0x80, s12, s10, $0xb8;
	[tilespmem:$0x1FE80] =	vst v63  }
0x8c: {  	s10 =	sadd.s32 @!p0 s25, s18;
	s12 =	simm.s32 @!p0 $0x13A80  }
0x8d: {  	[tilespmem:s12], [sflag:$0x3] =	stream.linear.gather @!p0 [hbm4b:s10+s28], $0x100, $0x38;
	[tilespmem:$0x1FE80] =	vst v63  }
0x8e: {  	s10 =	simm.s32 @!p0 $0x8  }
0x8f: {  	_ =	swait.ge @!p0 [sflag:s10], $0x4000  }
0x90: {  	s24 =	simm.s32 @!p0 $0x17E80;
	[sflag:s10] =	ssyncset.done @!p0 $0x0  }
0x91: {  	s12 =	simm.s32 @!p0 $0x13D00;
	[sflag:s10] =	ssyncadd.s32 @!p0 $0xFFFFC000;
	s10 =	simm.s32 @!p0 $0x80  }
0x92: {  	[spmem:s2] =	stream.indirect.scatter.add.f32 @!p0 [tilespmem:s24], [sflag:$0xB], $0x80, s12, s10, $0xb8;
	[tilespmem:$0x1FE80] =	vst v63  }
0x93: {  	s12 =	simm.s32 @!p0 $0xA  }
0x94: {  	_ =	swait.ge @!p0 [sflag:s12], $0x4000  }
0x95: {  	[sflag:s12] =	ssyncset.done @!p0 $0x0  }
0x96: {  	[sflag:s12] =	ssyncadd.s32 @!p0 $0xFFFFC000;
	s12 =	simm.s32 @!p0 $0x1  }
0x97: {  	_ =	swait.ge @!p0 [sflag:s12], $0x100  }
0x98: {  	[sflag:s12] =	ssyncset.done @!p0 $0x0  }
0x99: {  	[sflag:s12] =	ssyncadd.s32 @!p0 $0xFFFFFF00;
	s12 =	simm.s32 @!p0 $0x13E80  }
0x9a: {  	[tilespmem:s12], [sflag:$0x7] =	stream.indirect.gather @!p0 [hbm4b:s5+s10], $0x80, s30, s10, $0xb8;
	[tilespmem:$0x1FE80] =	vst v63  }
0x9b: {  	s10 =	sadd.s32 @!p0 s25, s17;
	s12 =	simm.s32 @!p0 $0x13B80  }
0x9c: {  	[tilespmem:s12], [sflag:$0x4] =	stream.linear.gather @!p0 [hbm4b:s10+s28], $0x100, $0x38;
	[tilespmem:$0x1FE80] =	vst v63  }
.Ltmp2:
0x9d: {  	_ = 	snop;
	(pc) =	sbr.rel @p0 .LBB2_4-.Ltmp2, $4  }
0x9e: {  	_ =	swait.ge [sflag:s15], $0x4000  }
0x9f: {  	[sflag:s15] =	ssyncset.done $0x0  }
0xa0: {  	s30 =	simm.s32 $0x13E00;
	[sflag:s15] =	ssyncadd.s32 $0xFFFFC000  }
0xa1: {  	[spmem:s2] =	stream.indirect.scatter.add.f32 [tilespmem:s20], [sflag:$0xC], $0x80, s30, s0, $0xb8;
	[tilespmem:$0x1FE80] =	vst v63  }
0xa2: {  	_ =	swait.ge [sflag:s7], $0x4000  }
0xa3: {  	[sflag:s7] =	ssyncset.done $0x0  }
0xa4: {  	[sflag:s7] =	ssyncadd.s32 $0xFFFFC000  }
0xa5: {  	_ =	swait.ge [sflag:s26], $0x100  }
.Ltmp3:
0xa6: {  	[sflag:s26] =	ssyncset.done $0x0;
	(pc) =	sbr.rel .LBB2_2-.Ltmp3, $4  }
0xa7: {  	[sflag:s26] =	ssyncadd.s32 $0xFFFFFF00  }
0xa8: {  	[tilespmem:s6], [sflag:$0x8] =	stream.indirect.gather [hbm4b:s5+s0], $0x80, s1, s0, $0xb8;
	[tilespmem:$0x1FE80] =	vst v63  }
0xa9: {  	s10 =	sadd.s32 s25, s16;
	s25 =	sadd.s32 $0xC0, s25;
	s4 =	sadd.s32 $0x600, s4  }
0xaa: {  	[tilespmem:s29], [sflag:$0x5] =	stream.linear.gather [hbm4b:s10+s8], $0x100, $0x38;
	[tilespmem:$0x1FE80] =	vst v63  }
.LBB2_5:
0xab: {  	_ =	sfence.sel $0x180000  }
0xac: {  	[bflag:$0x0] =	sbarrier.arrive $0xFFFF  }
0xad: {  	_ =	strace $0x9000004A  }
0xae: {  	s0 =	stileid.u32;
	[bflag:$0x2] =	sbarrier.arrive $0xFFFF  }
0xaf: {  	p0 =	sne.s32 s0, $0x0;
	s0 =	rddreg [dreg:$0x3]  }
0xb0: {  	s0 =	sadd.s32 @!p0 $0x100000, s0  }
0xb1: {  	[sflag:s0] =	ssyncadd.tile.s32 @!p0 $0x1;
	_ =	shalt  }
.Lfunc_end2:
_tile_overlayer_lowered:
.L_overlay_start_2:
0xb2: {  	(tag) =	ssettag $0x2  }
0xb3: {  	s0 =	rddreg [dreg:$0x0];
	s2 =	stileid.u32  }
0xb4: {  	s1 =	rddreg [dreg:$0x1];
	p0 =	sne.s32 s2, $0x0  }
0xb5: {  	s3 =	rddreg [dreg:$0x2];
	[bflag:$0x3] =	sbarrier.arrive $0xFFFF;
	s2 =	simm.s32 @!p0 $0x1C0D  }
0xb6: {  	[timem:s3], [sflag:s2] =	dma.local @!p0 [hbm:s0], s1  }
0xb7: {  	s0 =	simm.s32 @!p0 $0xD  }
0xb8: {  	_ =	swait.ge @!p0 [sflag:s0], s1  }
0xb9: {  	s1 =	ssub.s32 @!p0 $0x0, s1;
	[sflag:s0] =	ssyncset.done @!p0 $0x0  }
0xba: {  	[sflag:s0] =	ssyncadd.s32 @!p0 s1  }
0xbb: {  	[bflag:$0x3] =	sbarrier.arrive $0xFFFF  }
0xbc: {  	_ =	shalt  }

</sc_bundles>
